<compile_context>
chip_gen: v7x
topology: tpu7x:2x2x1
jax: 0.10.2.dev20260603
libtpu: 0.0.44.dev20260713+nightly
codegen_flags: <defaults>
</compile_context>

<pallas_src>
import functools

import jax
import jax.numpy as jnp
from jax import lax
from jax.experimental import pallas as pl
from jax.experimental.pallas import tpu as pltpu
from jax.experimental.pallas import tpu_sc as plsc

N = 10000
E = 320000
H = 128
K1, K2, K3 = 8000, 6400, 5120

NUM_CORES = 2
NUM_SUBCORES = 16
NUM_TILES = NUM_CORES * NUM_SUBCORES
EPT = E // NUM_TILES
CHUNK = 80
NCHUNK = EPT // CHUNK
NPAD = 10240
ROWS_PER_TILE = NPAD // NUM_SUBCORES


def _sc_scatter_body(x_hbm, src_hbm, dst_hbm, zeros_hbm, out_hbm,
                     sidx, didx, rows, acc, sem):
    cid = lax.axis_index("c")
    sid = lax.axis_index("s")
    wid = cid * NUM_SUBCORES + sid

    pltpu.sync_copy(zeros_hbm, acc.at[pl.ds(sid * ROWS_PER_TILE, ROWS_PER_TILE)])
    plsc.subcore_barrier()

    def body(i, carry):
        base = wid * EPT + i * CHUNK
        pltpu.sync_copy(src_hbm.at[pl.ds(base, CHUNK)], sidx)
        pltpu.sync_copy(dst_hbm.at[pl.ds(base, CHUNK)], didx)
        pltpu.async_copy(x_hbm.at[sidx], rows, sem).wait()
        pltpu.sync_copy(rows, acc.at[didx], add=True)
        return carry

    lax.fori_loop(0, NCHUNK, body, 0)
    plsc.subcore_barrier()

    pltpu.sync_copy(
        acc.at[pl.ds(sid * ROWS_PER_TILE, ROWS_PER_TILE)],
        out_hbm.at[pl.ds(cid * NPAD + sid * ROWS_PER_TILE, ROWS_PER_TILE)],
    )


@functools.cache
def _get_sc_scatter():
    return pl.kernel(
        _sc_scatter_body,
        out_type=jax.ShapeDtypeStruct((NUM_CORES * NPAD, H), jnp.float32),
        mesh=plsc.VectorSubcoreMesh(core_axis_name="c", subcore_axis_name="s"),
        scratch_types=[
            pltpu.VMEM((CHUNK,), jnp.int32),
            pltpu.VMEM((CHUNK,), jnp.int32),
            pltpu.VMEM((CHUNK, H), jnp.float32),
            pltpu.VMEM_SHARED((NPAD, H), jnp.float32),
            pltpu.SemaphoreType.DMA,
        ],
    )


def _sc_scatter(x, src, dst, zeros):
    return _get_sc_scatter()(x, src, dst, zeros)


def _sortable(v):
    bits = lax.bitcast_convert_type(v, jnp.int32)
    return jnp.where(bits >= 0, bits, bits ^ jnp.int32(0x7FFFFFFF))


def _topk_keep(keys, k):
    i32 = jnp.int32
    shape = keys[0].shape
    idx = (lax.broadcasted_iota(i32, shape, 0) * shape[1]
           + lax.broadcasted_iota(i32, shape, 1))

    def cnt(pred):
        return jnp.sum(pred.astype(i32))

    sure = jnp.zeros(shape, jnp.bool_)
    cand = jnp.ones(shape, jnp.bool_)
    remaining = i32(k)

    for key in keys:
        khi = lax.shift_right_arithmetic(key, 16)
        klo = lax.bitwise_and(key, i32(0xFFFF))

        def hbody(_, c, khi=khi, cand=cand, remaining=remaining):
            lo, hi = c
            mid = lax.shift_right_arithmetic(lo + hi, 1)
            ge = cnt(cand & (khi >= mid)) >= remaining
            return (jnp.where(ge, mid, lo), jnp.where(ge, hi, mid))
        hstar, _ = lax.fori_loop(0, 17, hbody, (i32(-32768), i32(32768)))

        on_h = cand & (khi == hstar)
        rem2 = remaining - cnt(cand & (khi > hstar))

        def lbody(_, c, klo=klo, on_h=on_h, rem2=rem2):
            lo, hi = c
            mid = lax.shift_right_arithmetic(lo + hi, 1)
            ge = cnt(on_h & (klo >= mid)) >= rem2
            return (jnp.where(ge, mid, lo), jnp.where(ge, hi, mid))
        lstar, _ = lax.fori_loop(0, 17, lbody, (i32(0), i32(65536)))

        above_l = on_h & (klo > lstar)
        sure = sure | (cand & (khi > hstar)) | above_l
        remaining = rem2 - cnt(above_l)
        cand = on_h & (klo == lstar)

    def cbody(_, c, cand=cand, remaining=remaining):
        lo, hi = c
        mid = lax.shift_right_arithmetic(lo + hi, 1)
        ge = cnt(cand & (idx < mid)) >= remaining
        return (jnp.where(ge, lo, mid), jnp.where(ge, mid, hi))
    _, cstar = lax.fori_loop(0, 14, cbody, (i32(0), i32(NPAD)))

    return sure | (cand & (idx < cstar))


BLK = 2000
GRID = N // BLK
NLANE = NPAD // 8


def _conv_body(agg0_ref, agg1_ref, x_ref, wrel_ref, brel_ref, wroot_ref,
               p_ref, h_ref, arg_ref):
    agg = agg0_ref[...] + agg1_ref[...]
    h = (jnp.dot(agg, wrel_ref[...], preferred_element_type=jnp.float32)
         + brel_ref[...]
         + jnp.dot(x_ref[...], wroot_ref[...],
                   preferred_element_type=jnp.float32))
    h = jnp.maximum(h, 0.0)
    p = p_ref[...]
    inv_norm = lax.rsqrt(jnp.sum(p * p))
    h_ref[...] = h
    arg_ref[...] = jnp.dot(h, p, preferred_element_type=jnp.float32) * inv_norm


def _tc_conv(agg0, agg1, x, wrel, brel, wroot, p):
    row = lambda i: (i, 0)
    full = lambda i: (0, 0)
    return pl.pallas_call(
        _conv_body,
        grid=(GRID,),
        in_specs=[
            pl.BlockSpec((BLK, H), row),
            pl.BlockSpec((BLK, H), row),
            pl.BlockSpec((BLK, H), row),
            pl.BlockSpec((H, H), full),
            pl.BlockSpec((1, H), full),
            pl.BlockSpec((H, H), full),
            pl.BlockSpec((H, 1), full),
        ],
        out_specs=[
            pl.BlockSpec((BLK, H), row),
            pl.BlockSpec((BLK, 1), row),
        ],
        out_shape=[
            jax.ShapeDtypeStruct((N, H), jnp.float32),
            jax.ShapeDtypeStruct((N, 1), jnp.float32),
        ],
    )(agg0, agg1, x, wrel, brel.reshape(1, H), wroot, p.reshape(H, 1))


def _select_body(*refs, k, n_hist):
    arg_ref, alive_ref = refs[:2]
    hist_refs = refs[2:2 + n_hist]
    keep_ref, factor_ref, score_ref = refs[2 + n_hist:]
    alive = alive_ref[...]
    score = jnp.tanh(arg_ref[...])
    masked = jnp.where(alive > 0.0, score, -jnp.inf)
    keys = [_sortable(masked)] + [_sortable(r[...]) for r in hist_refs]
    keep = _topk_keep(keys, k)
    keep_ref[...] = keep.astype(jnp.float32)
    factor_ref[...] = jnp.where(keep, score, 0.0)
    score_ref[...] = score


def _tc_select(argc, alivec, hist, k):
    return pl.pallas_call(
        functools.partial(_select_body, k=k, n_hist=len(hist)),
        out_shape=[
            jax.ShapeDtypeStruct((8, NLANE), jnp.float32),
            jax.ShapeDtypeStruct((8, NLANE), jnp.float32),
            jax.ShapeDtypeStruct((8, NLANE), jnp.float32),
        ],
    )(argc, alivec, *hist)


def _scale_body(h_ref, f_ref, xn_ref):
    xn_ref[...] = h_ref[...] * f_ref[...]


def _tc_scale(h, factor):
    row = lambda i: (i, 0)
    return pl.pallas_call(
        _scale_body,
        grid=(GRID,),
        in_specs=[
            pl.BlockSpec((BLK, H), row),
            pl.BlockSpec((BLK, 1), row),
        ],
        out_specs=pl.BlockSpec((BLK, H), row),
        out_shape=jax.ShapeDtypeStruct((N, H), jnp.float32),
    )(h, factor)


def _head_body(h_ref, f_ref, wl1_ref, bl1_ref, wl2_ref, bl2_ref, out_ref,
               acc_ref):
    i = pl.program_id(0)

    @pl.when(i == 0)
    def _():
        acc_ref[...] = jnp.zeros_like(acc_ref)

    part = jnp.sum(h_ref[...] * f_ref[...], axis=0, keepdims=True)
    acc_ref[...] += part

    @pl.when(i == GRID - 1)
    def _():
        g = acc_ref[...] * (1.0 / K3)
        z = jnp.maximum(
            jnp.dot(g, wl1_ref[...], preferred_element_type=jnp.float32)
            + bl1_ref[...], 0.0)
        logits = (jnp.dot(z, wl2_ref[...], preferred_element_type=jnp.float32)
                  + bl2_ref[...])
        m = jnp.max(logits, axis=-1, keepdims=True)
        lse = jnp.log(jnp.sum(jnp.exp(logits - m), axis=-1,
                              keepdims=True)) + m
        out_ref[...] = logits - lse


def _tc_head(h, factor, wl1, bl1, wl2, bl2):
    row = lambda i: (i, 0)
    full = lambda i: (0, 0)
    return pl.pallas_call(
        _head_body,
        grid=(GRID,),
        in_specs=[
            pl.BlockSpec((BLK, H), row),
            pl.BlockSpec((BLK, 1), row),
            pl.BlockSpec((H, 64), full),
            pl.BlockSpec((1, 64), full),
            pl.BlockSpec((64, 16), full),
            pl.BlockSpec((1, 16), full),
        ],
        out_specs=pl.BlockSpec((1, 16), full),
        out_shape=jax.ShapeDtypeStruct((1, 16), jnp.float32),
        scratch_shapes=[pltpu.VMEM((1, H), jnp.float32)],
    )(h, factor, wl1, bl1.reshape(1, 64), wl2, bl2.reshape(1, 16))


def _compact(col):
    flat = col.reshape(N)
    return jnp.pad(flat, (0, NPAD - N),
                   constant_values=-jnp.inf).reshape(8, NLANE)


def _uncompact(c):
    return c.reshape(NPAD, 1)[:N]


def kernel(x, edge_index, batch, W_rel1, b_rel1, W_root1, p1, W_rel2, b_rel2,
           W_root2, p2, W_rel3, b_rel3, W_root3, p3, W_l1, b_l1, W_l2, b_l2):
    src = edge_index[0]
    dst = edge_index[1]
    zeros = jnp.zeros((ROWS_PER_TILE, H), jnp.float32)
    alivec = (jnp.arange(NPAD, dtype=jnp.int32) < N).astype(
        jnp.float32).reshape(8, NLANE)

    rounds = [
        (W_rel1, b_rel1, W_root1, p1, K1),
        (W_rel2, b_rel2, W_root2, p2, K2),
        (W_rel3, b_rel3, W_root3, p3, K3),
    ]
    hist = []
    xr = x
    for i, (wrel, brel, wroot, p, k) in enumerate(rounds):
        aggp = _sc_scatter(xr, src, dst, zeros)
        agg0 = lax.slice(aggp, (0, 0), (N, H))
        agg1 = lax.slice(aggp, (NPAD, 0), (NPAD + N, H))
        h, arg = _tc_conv(agg0, agg1, xr, wrel, brel, wroot, p)
        argc = _compact(arg)
        keepc, factorc, scorec = _tc_select(argc, alivec, tuple(hist[::-1]), k)
        factor = _uncompact(factorc)
        if i < 2:
            xr = _tc_scale(h, factor)
            alivec = keepc
            hist.append(scorec)
    return _tc_head(h, factor, W_l1, b_l1, W_l2, b_l2)

# --- scband reference (transcript-rebuilt; emitter-appended) ---
"""Pipeline reference for scband-graph-conv3-tpk-79250736546090 (READ-ONLY COPY).

The authoritative reference and input builder live on the scoring server;
editing this copy changes nothing except your own understanding.
"""

import jax, jax.numpy as jnp
import numpy as np

N = 10000
E = 320000
F_IN = 128
H = 128
C = 16
K1, K2, K3 = 8000, 6400, 5120  # ceil(0.8*N), ceil(0.8*K1), ceil(0.8*K2)


def setup_inputs(seed: int = 0):
    key = jax.random.key(seed)
    ks = jax.random.split(key, 16)
    def w(i, shape, scale=0.05):
        return jax.random.normal(ks[i], shape, dtype=jnp.float32) * scale
    return {
        "x": jax.random.normal(ks[0], (N, F_IN), dtype=jnp.float32),
        "edge_index": jax.random.randint(ks[1], (2, E), 0, N, dtype=jnp.int32),
        "batch": jnp.zeros((N,), dtype=jnp.int32),
        "W_rel1": w(2, (F_IN, H)), "b_rel1": jnp.zeros((H,), jnp.float32), "W_root1": w(3, (F_IN, H)),
        "p1": w(4, (H,), 1.0),
        "W_rel2": w(5, (H, H)), "b_rel2": jnp.zeros((H,), jnp.float32), "W_root2": w(6, (H, H)),
        "p2": w(7, (H,), 1.0),
        "W_rel3": w(8, (H, H)), "b_rel3": jnp.zeros((H,), jnp.float32), "W_root3": w(9, (H, H)),
        "p3": w(10, (H,), 1.0),
        "W_l1": w(11, (H, 64)), "b_l1": jnp.zeros((64,), jnp.float32),
        "W_l2": w(12, (64, C)), "b_l2": jnp.zeros((C,), jnp.float32),
    }


def graph_conv(x, src, dst, valid, W_rel, b_rel, W_root):
    # PyG GraphConv: out = lin_rel(sum_{j in N(i)} x_j) + lin_root(x_i)
    msg = x[src] * valid[:, None]
    agg = jnp.zeros((x.shape[0], x.shape[1]), x.dtype).at[dst].add(msg)
    return agg @ W_rel + b_rel + x @ W_root


def topk_pool(x, src, dst, valid, p, k):
    # PyG TopKPooling: score = tanh((x @ w) / ||w||); keep top-k nodes; x = x[perm] * score[perm]
    score = jnp.tanh((x @ p) / jnp.linalg.norm(p))
    vals, perm = jax.lax.top_k(score, k)
    x_new = x[perm] * vals[:, None]
    new_idx = jnp.full((x.shape[0],), -1, dtype=src.dtype).at[perm].set(jnp.arange(k, dtype=src.dtype))
    s = new_idx[src]
    d = new_idx[dst]
    keep = (s >= 0) & (d >= 0)
    valid_new = valid * keep.astype(valid.dtype)
    return x_new, jnp.where(keep, s, 0), jnp.where(keep, d, 0), valid_new


def reference(x, edge_index, batch, W_rel1, b_rel1, W_root1, p1, W_rel2, b_rel2, W_root2, p2, W_rel3, b_rel3, W_root3, p3, W_l1, b_l1, W_l2, b_l2):
    src = edge_index[0]
    dst = edge_index[1]
    valid = jnp.ones((src.shape[0],), jnp.float32)
    h = jax.nn.relu(graph_conv(x, src, dst, valid, W_rel1, b_rel1, W_root1))
    h, src, dst, valid = topk_pool(h, src, dst, valid, p1, K1)
    h = jax.nn.relu(graph_conv(h, src, dst, valid, W_rel2, b_rel2, W_root2))
    h, src, dst, valid = topk_pool(h, src, dst, valid, p2, K2)
    h = jax.nn.relu(graph_conv(h, src, dst, valid, W_rel3, b_rel3, W_root3))
    h, src, dst, valid = topk_pool(h, src, dst, valid, p3, K3)
    # global_mean_pool with a single graph in the batch (batch == 0 everywhere)
    g = jnp.mean(h, axis=0, keepdims=True)
    g = jax.nn.relu(g @ W_l1 + b_l1)
    logits = g @ W_l2 + b_l2
    return jax.nn.log_softmax(logits, axis=-1)

if __name__ == "__main__":
    import jax
    _d = setup_inputs()
    print(jax.jit(kernel)(*tuple(_d.values())))

</pallas_src>

<mosaic_0001>
#map = affine_map<(d0, d1) -> (0, 0)>
#map1 = affine_map<(d0, d1) -> (0)>
module attributes {stable_mosaic.version = 14 : i64} {
  func.func @_sc_scatter_body(%arg0: i32, %arg1: i32, %arg2: memref<10000x128xf32, #tpu.memory_space<hbm>>, %arg3: memref<320000xi32, #tpu.memory_space<hbm>>, %arg4: memref<320000xi32, #tpu.memory_space<hbm>>, %arg5: memref<640x128xf32, #tpu.memory_space<hbm>>, %arg6: memref<20480x128xf32, #tpu.memory_space<hbm>>, %arg7: memref<80xi32, #tpu.memory_space<vmem>>, %arg8: memref<80xi32, #tpu.memory_space<vmem>>, %arg9: memref<80x128xf32, #tpu.memory_space<vmem>>, %arg10: memref<10240x128xf32, #tpu.memory_space<vmem_shared>>, %arg11: memref<!tpu.dma_semaphore, #tpu.memory_space<semaphore_mem>>) attributes {dimension_semantics = [#tpu.dimension_semantics<core_parallel>, #tpu.dimension_semantics<subcore_parallel>], iteration_bounds = array<i64: 2, 16>, scalar_prefetch = 0 : i64, scratch_operands = 5 : i64, tpu.core_type = #tpu.core_type<sc_vector_subcore>, window_params = [{transform_indices = #map}, {transform_indices = #map1}, {transform_indices = #map1}, {transform_indices = #map}, {transform_indices = #map}]} {
    %mul3A = arith.constant 16 : i32
    %mul3A_0 = arith.muli %arg0, %mul3A : i32
    %add3A = arith.addi %mul3A_0, %arg1 : i32
    %mul3A_1 = arith.constant 640 : i32
    %mul3A_2 = arith.muli %arg1, %mul3A_1 : i32
    "tpu.region"() ({
      %run_scoped3A = tpu.sem_alloc : memref<!tpu.dma_semaphore, #tpu.memory_space<semaphore_mem>>
      %dma_start3A = arith.constant 0 : i32
      %dma_start3A_16 = tpu.memref_slice %arg10[%mul3A_2, %dma_start3A] : memref<10240x128xf32, #tpu.memory_space<vmem_shared>> -> memref<640x128xf32, #tpu.memory_space<vmem_shared>>
      tpu.enqueue_dma source(%arg5 : memref<640x128xf32, #tpu.memory_space<hbm>>) target(%dma_start3A_16 : memref<640x128xf32, #tpu.memory_space<vmem_shared>>) target_semaphore(%run_scoped3A : memref<!tpu.dma_semaphore, #tpu.memory_space<semaphore_mem>>)
      %dma_wait3A = arith.constant 0 : i32
      %dma_wait3A_17 = tpu.memref_slice %arg10[%mul3A_2, %dma_wait3A] : memref<10240x128xf32, #tpu.memory_space<vmem_shared>> -> memref<640x128xf32, #tpu.memory_space<vmem_shared>>
      tpu.wait_dma2 semaphore(%run_scoped3A : memref<!tpu.dma_semaphore, #tpu.memory_space<semaphore_mem>>) src(%arg5 : memref<640x128xf32, #tpu.memory_space<hbm>>) dst(%dma_wait3A_17 : memref<640x128xf32, #tpu.memory_space<vmem_shared>>)
      tpu.yield
    }) : () -> ()
    %barrier3A = arith.constant 0 : index
    tpu.barrier barrier_id(%barrier3A)
    %scan3A = arith.constant 0 : i32
    %scan3A_3 = arith.constant 0 : i32
    %scan3A_4 = arith.constant 125 : i32
    %scan3A_5 = arith.addi %scan3A_3, %scan3A_4 : i32
    %scan3A_6 = arith.constant 1 : i32
    scf.for %scan3A_16 = %scan3A_3 to %scan3A_5 step %scan3A_6  : i32 {
      %mul3A_17 = arith.constant 10000 : i32
      %mul3A_18 = arith.muli %add3A, %mul3A_17 : i32
      %mul3A_19 = arith.constant 80 : i32
      %mul3A_20 = arith.muli %scan3A_16, %mul3A_19 : i32
      %add3A_21 = arith.addi %mul3A_18, %mul3A_20 : i32
      "tpu.region"() ({
        %run_scoped3A = tpu.sem_alloc : memref<!tpu.dma_semaphore, #tpu.memory_space<semaphore_mem>>
        %dma_start3A_26 = tpu.memref_slice %arg3[%add3A_21] : memref<320000xi32, #tpu.memory_space<hbm>> -> memref<80xi32, #tpu.memory_space<hbm>>
        %dma_start3A_27 = tpu.memref_slice %arg3[%add3A_21] : memref<320000xi32, #tpu.memory_space<hbm>> -> memref<80xi32, #tpu.memory_space<hbm>>
        tpu.enqueue_dma source(%dma_start3A_27 : memref<80xi32, #tpu.memory_space<hbm>>) target(%arg7 : memref<80xi32, #tpu.memory_space<vmem>>) target_semaphore(%run_scoped3A : memref<!tpu.dma_semaphore, #tpu.memory_space<semaphore_mem>>)
        %dma_wait3A_28 = tpu.memref_slice %arg3[%add3A_21] : memref<320000xi32, #tpu.memory_space<hbm>> -> memref<80xi32, #tpu.memory_space<hbm>>
        %dma_wait3A_29 = tpu.memref_slice %arg3[%add3A_21] : memref<320000xi32, #tpu.memory_space<hbm>> -> memref<80xi32, #tpu.memory_space<hbm>>
        tpu.wait_dma2 semaphore(%run_scoped3A : memref<!tpu.dma_semaphore, #tpu.memory_space<semaphore_mem>>) src(%dma_wait3A_29 : memref<80xi32, #tpu.memory_space<hbm>>) dst(%arg7 : memref<80xi32, #tpu.memory_space<vmem>>)
        tpu.yield
      }) : () -> ()
      "tpu.region"() ({
        %run_scoped3A = tpu.sem_alloc : memref<!tpu.dma_semaphore, #tpu.memory_space<semaphore_mem>>
        %dma_start3A_26 = tpu.memref_slice %arg4[%add3A_21] : memref<320000xi32, #tpu.memory_space<hbm>> -> memref<80xi32, #tpu.memory_space<hbm>>
        %dma_start3A_27 = tpu.memref_slice %arg4[%add3A_21] : memref<320000xi32, #tpu.memory_space<hbm>> -> memref<80xi32, #tpu.memory_space<hbm>>
        tpu.enqueue_dma source(%dma_start3A_27 : memref<80xi32, #tpu.memory_space<hbm>>) target(%arg8 : memref<80xi32, #tpu.memory_space<vmem>>) target_semaphore(%run_scoped3A : memref<!tpu.dma_semaphore, #tpu.memory_space<semaphore_mem>>)
        %dma_wait3A_28 = tpu.memref_slice %arg4[%add3A_21] : memref<320000xi32, #tpu.memory_space<hbm>> -> memref<80xi32, #tpu.memory_space<hbm>>
        %dma_wait3A_29 = tpu.memref_slice %arg4[%add3A_21] : memref<320000xi32, #tpu.memory_space<hbm>> -> memref<80xi32, #tpu.memory_space<hbm>>
        tpu.wait_dma2 semaphore(%run_scoped3A : memref<!tpu.dma_semaphore, #tpu.memory_space<semaphore_mem>>) src(%dma_wait3A_29 : memref<80xi32, #tpu.memory_space<hbm>>) dst(%arg8 : memref<80xi32, #tpu.memory_space<vmem>>)
        tpu.yield
      }) : () -> ()
      %dma_start3A = arith.constant 0 : i32
      %dma_start3A_22 = arith.constant 0 : i32
      %dma_start3A_23 = tpu.memref_slice %arg2[%dma_start3A, %dma_start3A_22] : memref<10000x128xf32, #tpu.memory_space<hbm>> -> memref<10000x128xf32, #tpu.memory_space<hbm>>
      tpu.enqueue_indirect_dma source(%dma_start3A_23 : memref<10000x128xf32, #tpu.memory_space<hbm>>) target(%arg9 : memref<80x128xf32, #tpu.memory_space<vmem>>) offsets(%arg7 : memref<80xi32, #tpu.memory_space<vmem>>) semaphore(%arg11 : memref<!tpu.dma_semaphore, #tpu.memory_space<semaphore_mem>>)
      %dma_wait3A = arith.constant 0 : i32
      %dma_wait3A_24 = arith.constant 0 : i32
      %dma_wait3A_25 = tpu.memref_slice %arg2[%dma_wait3A, %dma_wait3A_24] : memref<10000x128xf32, #tpu.memory_space<hbm>> -> memref<10000x128xf32, #tpu.memory_space<hbm>>
      tpu.wait_indirect_dma semaphore(%arg11 : memref<!tpu.dma_semaphore, #tpu.memory_space<semaphore_mem>>) src(%dma_wait3A_25 : memref<10000x128xf32, #tpu.memory_space<hbm>>) dst(%arg9 : memref<80x128xf32, #tpu.memory_space<vmem>>)
      "tpu.region"() ({
        %run_scoped3A = tpu.sem_alloc : memref<!tpu.dma_semaphore, #tpu.memory_space<semaphore_mem>>
        %dma_start3A_26 = arith.constant 0 : i32
        %dma_start3A_27 = arith.constant 0 : i32
        %dma_start3A_28 = tpu.memref_slice %arg10[%dma_start3A_26, %dma_start3A_27] : memref<10240x128xf32, #tpu.memory_space<vmem_shared>> -> memref<10240x128xf32, #tpu.memory_space<vmem_shared>>
        tpu.enqueue_indirect_dma source(%arg9 : memref<80x128xf32, #tpu.memory_space<vmem>>) target(%dma_start3A_28 : memref<10240x128xf32, #tpu.memory_space<vmem_shared>>) offsets(%arg8 : memref<80xi32, #tpu.memory_space<vmem>>) semaphore(%run_scoped3A : memref<!tpu.dma_semaphore, #tpu.memory_space<semaphore_mem>>) {add = true}
        %dma_wait3A_29 = arith.constant 0 : i32
        %dma_wait3A_30 = arith.constant 0 : i32
        %dma_wait3A_31 = tpu.memref_slice %arg10[%dma_wait3A_29, %dma_wait3A_30] : memref<10240x128xf32, #tpu.memory_space<vmem_shared>> -> memref<10240x128xf32, #tpu.memory_space<vmem_shared>>
        tpu.wait_indirect_dma semaphore(%run_scoped3A : memref<!tpu.dma_semaphore, #tpu.memory_space<semaphore_mem>>) src(%arg9 : memref<80x128xf32, #tpu.memory_space<vmem>>) dst(%dma_wait3A_31 : memref<10240x128xf32, #tpu.memory_space<vmem_shared>>)
        tpu.yield
      }) : () -> ()
    }
    %scan3A_7 = arith.constant 125 : i32
    %barrier3A_8 = arith.constant 0 : index
    tpu.barrier barrier_id(%barrier3A_8)
    %mul3A_9 = arith.constant 640 : i32
    %mul3A_10 = arith.muli %arg1, %mul3A_9 : i32
    %mul3A_11 = arith.constant 10240 : i32
    %mul3A_12 = arith.muli %arg0, %mul3A_11 : i32
    %mul3A_13 = arith.constant 640 : i32
    %mul3A_14 = arith.muli %arg1, %mul3A_13 : i32
    %add3A_15 = arith.addi %mul3A_12, %mul3A_14 : i32
    "tpu.region"() ({
      %run_scoped3A = tpu.sem_alloc : memref<!tpu.dma_semaphore, #tpu.memory_space<semaphore_mem>>
      %dma_start3A = arith.constant 0 : i32
      %dma_start3A_16 = tpu.memref_slice %arg6[%add3A_15, %dma_start3A] : memref<20480x128xf32, #tpu.memory_space<hbm>> -> memref<640x128xf32, #tpu.memory_space<hbm>>
      %dma_start3A_17 = arith.constant 0 : i32
      %dma_start3A_18 = tpu.memref_slice %arg10[%mul3A_10, %dma_start3A_17] : memref<10240x128xf32, #tpu.memory_space<vmem_shared>> -> memref<640x128xf32, #tpu.memory_space<vmem_shared>>
      tpu.enqueue_dma source(%dma_start3A_18 : memref<640x128xf32, #tpu.memory_space<vmem_shared>>) target(%dma_start3A_16 : memref<640x128xf32, #tpu.memory_space<hbm>>) target_semaphore(%run_scoped3A : memref<!tpu.dma_semaphore, #tpu.memory_space<semaphore_mem>>)
      %dma_wait3A = arith.constant 0 : i32
      %dma_wait3A_19 = tpu.memref_slice %arg6[%add3A_15, %dma_wait3A] : memref<20480x128xf32, #tpu.memory_space<hbm>> -> memref<640x128xf32, #tpu.memory_space<hbm>>
      %dma_wait3A_20 = arith.constant 0 : i32
      %dma_wait3A_21 = tpu.memref_slice %arg10[%mul3A_10, %dma_wait3A_20] : memref<10240x128xf32, #tpu.memory_space<vmem_shared>> -> memref<640x128xf32, #tpu.memory_space<vmem_shared>>
      tpu.wait_dma2 semaphore(%run_scoped3A : memref<!tpu.dma_semaphore, #tpu.memory_space<semaphore_mem>>) src(%dma_wait3A_21 : memref<640x128xf32, #tpu.memory_space<vmem_shared>>) dst(%dma_wait3A_19 : memref<640x128xf32, #tpu.memory_space<hbm>>)
      tpu.yield
    }) : () -> ()
    return
  }
}

#map = affine_map<(d0, d1) -> (0, 0)>
#map1 = affine_map<(d0, d1) -> (0)>
module attributes {stable_mosaic.version = 14 : i64} {
  func.func @_sc_scatter_body(%arg0: i32, %arg1: i32, %arg2: memref<10000x128xf32, #tpu.memory_space<hbm>>, %arg3: memref<320000xi32, #tpu.memory_space<hbm>>, %arg4: memref<320000xi32, #tpu.memory_space<hbm>>, %arg5: memref<640x128xf32, #tpu.memory_space<hbm>>, %arg6: memref<20480x128xf32, #tpu.memory_space<hbm>>, %arg7: memref<80xi32, #tpu.memory_space<vmem>>, %arg8: memref<80xi32, #tpu.memory_space<vmem>>, %arg9: memref<80x128xf32, #tpu.memory_space<vmem>>, %arg10: memref<10240x128xf32, #tpu.memory_space<vmem_shared>>, %arg11: memref<!tpu.dma_semaphore, #tpu.memory_space<semaphore_mem>>) attributes {dimension_semantics = [#tpu.dimension_semantics<core_parallel>, #tpu.dimension_semantics<subcore_parallel>], iteration_bounds = array<i64: 2, 16>, scalar_prefetch = 0 : i64, scratch_operands = 5 : i64, tpu.core_type = #tpu.core_type<sc_vector_subcore>, window_params = [{transform_indices = #map}, {transform_indices = #map1}, {transform_indices = #map1}, {transform_indices = #map}, {transform_indices = #map}]} {
    %mul3A = arith.constant 16 : i32
    %mul3A_0 = arith.muli %arg0, %mul3A : i32
    %add3A = arith.addi %mul3A_0, %arg1 : i32
    %mul3A_1 = arith.constant 640 : i32
    %mul3A_2 = arith.muli %arg1, %mul3A_1 : i32
    "tpu.region"() ({
      %run_scoped3A = tpu.sem_alloc : memref<!tpu.dma_semaphore, #tpu.memory_space<semaphore_mem>>
      %dma_start3A = arith.constant 0 : i32
      %dma_start3A_16 = tpu.memref_slice %arg10[%mul3A_2, %dma_start3A] : memref<10240x128xf32, #tpu.memory_space<vmem_shared>> -> memref<640x128xf32, #tpu.memory_space<vmem_shared>>
      tpu.enqueue_dma source(%arg5 : memref<640x128xf32, #tpu.memory_space<hbm>>) target(%dma_start3A_16 : memref<640x128xf32, #tpu.memory_space<vmem_shared>>) target_semaphore(%run_scoped3A : memref<!tpu.dma_semaphore, #tpu.memory_space<semaphore_mem>>)
      %dma_wait3A = arith.constant 0 : i32
      %dma_wait3A_17 = tpu.memref_slice %arg10[%mul3A_2, %dma_wait3A] : memref<10240x128xf32, #tpu.memory_space<vmem_shared>> -> memref<640x128xf32, #tpu.memory_space<vmem_shared>>
      tpu.wait_dma2 semaphore(%run_scoped3A : memref<!tpu.dma_semaphore, #tpu.memory_space<semaphore_mem>>) src(%arg5 : memref<640x128xf32, #tpu.memory_space<hbm>>) dst(%dma_wait3A_17 : memref<640x128xf32, #tpu.memory_space<vmem_shared>>)
      tpu.yield
    }) : () -> ()
    %barrier3A = arith.constant 0 : index
    tpu.barrier barrier_id(%barrier3A)
    %scan3A = arith.constant 0 : i32
    %scan3A_3 = arith.constant 0 : i32
    %scan3A_4 = arith.constant 125 : i32
    %scan3A_5 = arith.addi %scan3A_3, %scan3A_4 : i32
    %scan3A_6 = arith.constant 1 : i32
    scf.for %scan3A_16 = %scan3A_3 to %scan3A_5 step %scan3A_6  : i32 {
      %mul3A_17 = arith.constant 10000 : i32
      %mul3A_18 = arith.muli %add3A, %mul3A_17 : i32
      %mul3A_19 = arith.constant 80 : i32
      %mul3A_20 = arith.muli %scan3A_16, %mul3A_19 : i32
      %add3A_21 = arith.addi %mul3A_18, %mul3A_20 : i32
      "tpu.region"() ({
        %run_scoped3A = tpu.sem_alloc : memref<!tpu.dma_semaphore, #tpu.memory_space<semaphore_mem>>
        %dma_start3A_26 = tpu.memref_slice %arg3[%add3A_21] : memref<320000xi32, #tpu.memory_space<hbm>> -> memref<80xi32, #tpu.memory_space<hbm>>
        %dma_start3A_27 = tpu.memref_slice %arg3[%add3A_21] : memref<320000xi32, #tpu.memory_space<hbm>> -> memref<80xi32, #tpu.memory_space<hbm>>
        tpu.enqueue_dma source(%dma_start3A_27 : memref<80xi32, #tpu.memory_space<hbm>>) target(%arg7 : memref<80xi32, #tpu.memory_space<vmem>>) target_semaphore(%run_scoped3A : memref<!tpu.dma_semaphore, #tpu.memory_space<semaphore_mem>>)
        %dma_wait3A_28 = tpu.memref_slice %arg3[%add3A_21] : memref<320000xi32, #tpu.memory_space<hbm>> -> memref<80xi32, #tpu.memory_space<hbm>>
        %dma_wait3A_29 = tpu.memref_slice %arg3[%add3A_21] : memref<320000xi32, #tpu.memory_space<hbm>> -> memref<80xi32, #tpu.memory_space<hbm>>
        tpu.wait_dma2 semaphore(%run_scoped3A : memref<!tpu.dma_semaphore, #tpu.memory_space<semaphore_mem>>) src(%dma_wait3A_29 : memref<80xi32, #tpu.memory_space<hbm>>) dst(%arg7 : memref<80xi32, #tpu.memory_space<vmem>>)
        tpu.yield
      }) : () -> ()
      "tpu.region"() ({
        %run_scoped3A = tpu.sem_alloc : memref<!tpu.dma_semaphore, #tpu.memory_space<semaphore_mem>>
        %dma_start3A_26 = tpu.memref_slice %arg4[%add3A_21] : memref<320000xi32, #tpu.memory_space<hbm>> -> memref<80xi32, #tpu.memory_space<hbm>>
        %dma_start3A_27 = tpu.memref_slice %arg4[%add3A_21] : memref<320000xi32, #tpu.memory_space<hbm>> -> memref<80xi32, #tpu.memory_space<hbm>>
        tpu.enqueue_dma source(%dma_start3A_27 : memref<80xi32, #tpu.memory_space<hbm>>) target(%arg8 : memref<80xi32, #tpu.memory_space<vmem>>) target_semaphore(%run_scoped3A : memref<!tpu.dma_semaphore, #tpu.memory_space<semaphore_mem>>)
        %dma_wait3A_28 = tpu.memref_slice %arg4[%add3A_21] : memref<320000xi32, #tpu.memory_space<hbm>> -> memref<80xi32, #tpu.memory_space<hbm>>
        %dma_wait3A_29 = tpu.memref_slice %arg4[%add3A_21] : memref<320000xi32, #tpu.memory_space<hbm>> -> memref<80xi32, #tpu.memory_space<hbm>>
        tpu.wait_dma2 semaphore(%run_scoped3A : memref<!tpu.dma_semaphore, #tpu.memory_space<semaphore_mem>>) src(%dma_wait3A_29 : memref<80xi32, #tpu.memory_space<hbm>>) dst(%arg8 : memref<80xi32, #tpu.memory_space<vmem>>)
        tpu.yield
      }) : () -> ()
      %dma_start3A = arith.constant 0 : i32
      %dma_start3A_22 = arith.constant 0 : i32
      %dma_start3A_23 = tpu.memref_slice %arg2[%dma_start3A, %dma_start3A_22] : memref<10000x128xf32, #tpu.memory_space<hbm>> -> memref<10000x128xf32, #tpu.memory_space<hbm>>
      tpu.enqueue_indirect_dma source(%dma_start3A_23 : memref<10000x128xf32, #tpu.memory_space<hbm>>) target(%arg9 : memref<80x128xf32, #tpu.memory_space<vmem>>) offsets(%arg7 : memref<80xi32, #tpu.memory_space<vmem>>) semaphore(%arg11 : memref<!tpu.dma_semaphore, #tpu.memory_space<semaphore_mem>>)
      %dma_wait3A = arith.constant 0 : i32
      %dma_wait3A_24 = arith.constant 0 : i32
      %dma_wait3A_25 = tpu.memref_slice %arg2[%dma_wait3A, %dma_wait3A_24] : memref<10000x128xf32, #tpu.memory_space<hbm>> -> memref<10000x128xf32, #tpu.memory_space<hbm>>
      tpu.wait_indirect_dma semaphore(%arg11 : memref<!tpu.dma_semaphore, #tpu.memory_space<semaphore_mem>>) src(%dma_wait3A_25 : memref<10000x128xf32, #tpu.memory_space<hbm>>) dst(%arg9 : memref<80x128xf32, #tpu.memory_space<vmem>>)
      "tpu.region"() ({
        %run_scoped3A = tpu.sem_alloc : memref<!tpu.dma_semaphore, #tpu.memory_space<semaphore_mem>>
        %dma_start3A_26 = arith.constant 0 : i32
        %dma_start3A_27 = arith.constant 0 : i32
        %dma_start3A_28 = tpu.memref_slice %arg10[%dma_start3A_26, %dma_start3A_27] : memref<10240x128xf32, #tpu.memory_space<vmem_shared>> -> memref<10240x128xf32, #tpu.memory_space<vmem_shared>>
        tpu.enqueue_indirect_dma source(%arg9 : memref<80x128xf32, #tpu.memory_space<vmem>>) target(%dma_start3A_28 : memref<10240x128xf32, #tpu.memory_space<vmem_shared>>) offsets(%arg8 : memref<80xi32, #tpu.memory_space<vmem>>) semaphore(%run_scoped3A : memref<!tpu.dma_semaphore, #tpu.memory_space<semaphore_mem>>) {add = true}
        %dma_wait3A_29 = arith.constant 0 : i32
        %dma_wait3A_30 = arith.constant 0 : i32
        %dma_wait3A_31 = tpu.memref_slice %arg10[%dma_wait3A_29, %dma_wait3A_30] : memref<10240x128xf32, #tpu.memory_space<vmem_shared>> -> memref<10240x128xf32, #tpu.memory_space<vmem_shared>>
        tpu.wait_indirect_dma semaphore(%run_scoped3A : memref<!tpu.dma_semaphore, #tpu.memory_space<semaphore_mem>>) src(%arg9 : memref<80x128xf32, #tpu.memory_space<vmem>>) dst(%dma_wait3A_31 : memref<10240x128xf32, #tpu.memory_space<vmem_shared>>)
        tpu.yield
      }) : () -> ()
    }
    %scan3A_7 = arith.constant 125 : i32
    %barrier3A_8 = arith.constant 0 : index
    tpu.barrier barrier_id(%barrier3A_8)
    %mul3A_9 = arith.constant 640 : i32
    %mul3A_10 = arith.muli %arg1, %mul3A_9 : i32
    %mul3A_11 = arith.constant 10240 : i32
    %mul3A_12 = arith.muli %arg0, %mul3A_11 : i32
    %mul3A_13 = arith.constant 640 : i32
    %mul3A_14 = arith.muli %arg1, %mul3A_13 : i32
    %add3A_15 = arith.addi %mul3A_12, %mul3A_14 : i32
    "tpu.region"() ({
      %run_scoped3A = tpu.sem_alloc : memref<!tpu.dma_semaphore, #tpu.memory_space<semaphore_mem>>
      %dma_start3A = arith.constant 0 : i32
      %dma_start3A_16 = tpu.memref_slice %arg6[%add3A_15, %dma_start3A] : memref<20480x128xf32, #tpu.memory_space<hbm>> -> memref<640x128xf32, #tpu.memory_space<hbm>>
      %dma_start3A_17 = arith.constant 0 : i32
      %dma_start3A_18 = tpu.memref_slice %arg10[%mul3A_10, %dma_start3A_17] : memref<10240x128xf32, #tpu.memory_space<vmem_shared>> -> memref<640x128xf32, #tpu.memory_space<vmem_shared>>
      tpu.enqueue_dma source(%dma_start3A_18 : memref<640x128xf32, #tpu.memory_space<vmem_shared>>) target(%dma_start3A_16 : memref<640x128xf32, #tpu.memory_space<hbm>>) target_semaphore(%run_scoped3A : memref<!tpu.dma_semaphore, #tpu.memory_space<semaphore_mem>>)
      %dma_wait3A = arith.constant 0 : i32
      %dma_wait3A_19 = tpu.memref_slice %arg6[%add3A_15, %dma_wait3A] : memref<20480x128xf32, #tpu.memory_space<hbm>> -> memref<640x128xf32, #tpu.memory_space<hbm>>
      %dma_wait3A_20 = arith.constant 0 : i32
      %dma_wait3A_21 = tpu.memref_slice %arg10[%mul3A_10, %dma_wait3A_20] : memref<10240x128xf32, #tpu.memory_space<vmem_shared>> -> memref<640x128xf32, #tpu.memory_space<vmem_shared>>
      tpu.wait_dma2 semaphore(%run_scoped3A : memref<!tpu.dma_semaphore, #tpu.memory_space<semaphore_mem>>) src(%dma_wait3A_21 : memref<640x128xf32, #tpu.memory_space<vmem_shared>>) dst(%dma_wait3A_19 : memref<640x128xf32, #tpu.memory_space<hbm>>)
      tpu.yield
    }) : () -> ()
    return
  }
}

#map = affine_map<(d0, d1) -> (0, 0)>
#map1 = affine_map<(d0, d1) -> (0)>
module attributes {stable_mosaic.version = 14 : i64} {
  func.func @_sc_scatter_body(%arg0: i32, %arg1: i32, %arg2: memref<10000x128xf32, #tpu.memory_space<hbm>>, %arg3: memref<320000xi32, #tpu.memory_space<hbm>>, %arg4: memref<320000xi32, #tpu.memory_space<hbm>>, %arg5: memref<640x128xf32, #tpu.memory_space<hbm>>, %arg6: memref<20480x128xf32, #tpu.memory_space<hbm>>, %arg7: memref<80xi32, #tpu.memory_space<vmem>>, %arg8: memref<80xi32, #tpu.memory_space<vmem>>, %arg9: memref<80x128xf32, #tpu.memory_space<vmem>>, %arg10: memref<10240x128xf32, #tpu.memory_space<vmem_shared>>, %arg11: memref<!tpu.dma_semaphore, #tpu.memory_space<semaphore_mem>>) attributes {dimension_semantics = [#tpu.dimension_semantics<core_parallel>, #tpu.dimension_semantics<subcore_parallel>], iteration_bounds = array<i64: 2, 16>, scalar_prefetch = 0 : i64, scratch_operands = 5 : i64, tpu.core_type = #tpu.core_type<sc_vector_subcore>, window_params = [{transform_indices = #map}, {transform_indices = #map1}, {transform_indices = #map1}, {transform_indices = #map}, {transform_indices = #map}]} {
    %mul3A = arith.constant 16 : i32
    %mul3A_0 = arith.muli %arg0, %mul3A : i32
    %add3A = arith.addi %mul3A_0, %arg1 : i32
    %mul3A_1 = arith.constant 640 : i32
    %mul3A_2 = arith.muli %arg1, %mul3A_1 : i32
    "tpu.region"() ({
      %run_scoped3A = tpu.sem_alloc : memref<!tpu.dma_semaphore, #tpu.memory_space<semaphore_mem>>
      %dma_start3A = arith.constant 0 : i32
      %dma_start3A_16 = tpu.memref_slice %arg10[%mul3A_2, %dma_start3A] : memref<10240x128xf32, #tpu.memory_space<vmem_shared>> -> memref<640x128xf32, #tpu.memory_space<vmem_shared>>
      tpu.enqueue_dma source(%arg5 : memref<640x128xf32, #tpu.memory_space<hbm>>) target(%dma_start3A_16 : memref<640x128xf32, #tpu.memory_space<vmem_shared>>) target_semaphore(%run_scoped3A : memref<!tpu.dma_semaphore, #tpu.memory_space<semaphore_mem>>)
      %dma_wait3A = arith.constant 0 : i32
      %dma_wait3A_17 = tpu.memref_slice %arg10[%mul3A_2, %dma_wait3A] : memref<10240x128xf32, #tpu.memory_space<vmem_shared>> -> memref<640x128xf32, #tpu.memory_space<vmem_shared>>
      tpu.wait_dma2 semaphore(%run_scoped3A : memref<!tpu.dma_semaphore, #tpu.memory_space<semaphore_mem>>) src(%arg5 : memref<640x128xf32, #tpu.memory_space<hbm>>) dst(%dma_wait3A_17 : memref<640x128xf32, #tpu.memory_space<vmem_shared>>)
      tpu.yield
    }) : () -> ()
    %barrier3A = arith.constant 0 : index
    tpu.barrier barrier_id(%barrier3A)
    %scan3A = arith.constant 0 : i32
    %scan3A_3 = arith.constant 0 : i32
    %scan3A_4 = arith.constant 125 : i32
    %scan3A_5 = arith.addi %scan3A_3, %scan3A_4 : i32
    %scan3A_6 = arith.constant 1 : i32
    scf.for %scan3A_16 = %scan3A_3 to %scan3A_5 step %scan3A_6  : i32 {
      %mul3A_17 = arith.constant 10000 : i32
      %mul3A_18 = arith.muli %add3A, %mul3A_17 : i32
      %mul3A_19 = arith.constant 80 : i32
      %mul3A_20 = arith.muli %scan3A_16, %mul3A_19 : i32
      %add3A_21 = arith.addi %mul3A_18, %mul3A_20 : i32
      "tpu.region"() ({
        %run_scoped3A = tpu.sem_alloc : memref<!tpu.dma_semaphore, #tpu.memory_space<semaphore_mem>>
        %dma_start3A_26 = tpu.memref_slice %arg3[%add3A_21] : memref<320000xi32, #tpu.memory_space<hbm>> -> memref<80xi32, #tpu.memory_space<hbm>>
        %dma_start3A_27 = tpu.memref_slice %arg3[%add3A_21] : memref<320000xi32, #tpu.memory_space<hbm>> -> memref<80xi32, #tpu.memory_space<hbm>>
        tpu.enqueue_dma source(%dma_start3A_27 : memref<80xi32, #tpu.memory_space<hbm>>) target(%arg7 : memref<80xi32, #tpu.memory_space<vmem>>) target_semaphore(%run_scoped3A : memref<!tpu.dma_semaphore, #tpu.memory_space<semaphore_mem>>)
        %dma_wait3A_28 = tpu.memref_slice %arg3[%add3A_21] : memref<320000xi32, #tpu.memory_space<hbm>> -> memref<80xi32, #tpu.memory_space<hbm>>
        %dma_wait3A_29 = tpu.memref_slice %arg3[%add3A_21] : memref<320000xi32, #tpu.memory_space<hbm>> -> memref<80xi32, #tpu.memory_space<hbm>>
        tpu.wait_dma2 semaphore(%run_scoped3A : memref<!tpu.dma_semaphore, #tpu.memory_space<semaphore_mem>>) src(%dma_wait3A_29 : memref<80xi32, #tpu.memory_space<hbm>>) dst(%arg7 : memref<80xi32, #tpu.memory_space<vmem>>)
        tpu.yield
      }) : () -> ()
      "tpu.region"() ({
        %run_scoped3A = tpu.sem_alloc : memref<!tpu.dma_semaphore, #tpu.memory_space<semaphore_mem>>
        %dma_start3A_26 = tpu.memref_slice %arg4[%add3A_21] : memref<320000xi32, #tpu.memory_space<hbm>> -> memref<80xi32, #tpu.memory_space<hbm>>
        %dma_start3A_27 = tpu.memref_slice %arg4[%add3A_21] : memref<320000xi32, #tpu.memory_space<hbm>> -> memref<80xi32, #tpu.memory_space<hbm>>
        tpu.enqueue_dma source(%dma_start3A_27 : memref<80xi32, #tpu.memory_space<hbm>>) target(%arg8 : memref<80xi32, #tpu.memory_space<vmem>>) target_semaphore(%run_scoped3A : memref<!tpu.dma_semaphore, #tpu.memory_space<semaphore_mem>>)
        %dma_wait3A_28 = tpu.memref_slice %arg4[%add3A_21] : memref<320000xi32, #tpu.memory_space<hbm>> -> memref<80xi32, #tpu.memory_space<hbm>>
        %dma_wait3A_29 = tpu.memref_slice %arg4[%add3A_21] : memref<320000xi32, #tpu.memory_space<hbm>> -> memref<80xi32, #tpu.memory_space<hbm>>
        tpu.wait_dma2 semaphore(%run_scoped3A : memref<!tpu.dma_semaphore, #tpu.memory_space<semaphore_mem>>) src(%dma_wait3A_29 : memref<80xi32, #tpu.memory_space<hbm>>) dst(%arg8 : memref<80xi32, #tpu.memory_space<vmem>>)
        tpu.yield
      }) : () -> ()
      %dma_start3A = arith.constant 0 : i32
      %dma_start3A_22 = arith.constant 0 : i32
      %dma_start3A_23 = tpu.memref_slice %arg2[%dma_start3A, %dma_start3A_22] : memref<10000x128xf32, #tpu.memory_space<hbm>> -> memref<10000x128xf32, #tpu.memory_space<hbm>>
      tpu.enqueue_indirect_dma source(%dma_start3A_23 : memref<10000x128xf32, #tpu.memory_space<hbm>>) target(%arg9 : memref<80x128xf32, #tpu.memory_space<vmem>>) offsets(%arg7 : memref<80xi32, #tpu.memory_space<vmem>>) semaphore(%arg11 : memref<!tpu.dma_semaphore, #tpu.memory_space<semaphore_mem>>)
      %dma_wait3A = arith.constant 0 : i32
      %dma_wait3A_24 = arith.constant 0 : i32
      %dma_wait3A_25 = tpu.memref_slice %arg2[%dma_wait3A, %dma_wait3A_24] : memref<10000x128xf32, #tpu.memory_space<hbm>> -> memref<10000x128xf32, #tpu.memory_space<hbm>>
      tpu.wait_indirect_dma semaphore(%arg11 : memref<!tpu.dma_semaphore, #tpu.memory_space<semaphore_mem>>) src(%dma_wait3A_25 : memref<10000x128xf32, #tpu.memory_space<hbm>>) dst(%arg9 : memref<80x128xf32, #tpu.memory_space<vmem>>)
      "tpu.region"() ({
        %run_scoped3A = tpu.sem_alloc : memref<!tpu.dma_semaphore, #tpu.memory_space<semaphore_mem>>
        %dma_start3A_26 = arith.constant 0 : i32
        %dma_start3A_27 = arith.constant 0 : i32
        %dma_start3A_28 = tpu.memref_slice %arg10[%dma_start3A_26, %dma_start3A_27] : memref<10240x128xf32, #tpu.memory_space<vmem_shared>> -> memref<10240x128xf32, #tpu.memory_space<vmem_shared>>
        tpu.enqueue_indirect_dma source(%arg9 : memref<80x128xf32, #tpu.memory_space<vmem>>) target(%dma_start3A_28 : memref<10240x128xf32, #tpu.memory_space<vmem_shared>>) offsets(%arg8 : memref<80xi32, #tpu.memory_space<vmem>>) semaphore(%run_scoped3A : memref<!tpu.dma_semaphore, #tpu.memory_space<semaphore_mem>>) {add = true}
        %dma_wait3A_29 = arith.constant 0 : i32
        %dma_wait3A_30 = arith.constant 0 : i32
        %dma_wait3A_31 = tpu.memref_slice %arg10[%dma_wait3A_29, %dma_wait3A_30] : memref<10240x128xf32, #tpu.memory_space<vmem_shared>> -> memref<10240x128xf32, #tpu.memory_space<vmem_shared>>
        tpu.wait_indirect_dma semaphore(%run_scoped3A : memref<!tpu.dma_semaphore, #tpu.memory_space<semaphore_mem>>) src(%arg9 : memref<80x128xf32, #tpu.memory_space<vmem>>) dst(%dma_wait3A_31 : memref<10240x128xf32, #tpu.memory_space<vmem_shared>>)
        tpu.yield
      }) : () -> ()
    }
    %scan3A_7 = arith.constant 125 : i32
    %barrier3A_8 = arith.constant 0 : index
    tpu.barrier barrier_id(%barrier3A_8)
    %mul3A_9 = arith.constant 640 : i32
    %mul3A_10 = arith.muli %arg1, %mul3A_9 : i32
    %mul3A_11 = arith.constant 10240 : i32
    %mul3A_12 = arith.muli %arg0, %mul3A_11 : i32
    %mul3A_13 = arith.constant 640 : i32
    %mul3A_14 = arith.muli %arg1, %mul3A_13 : i32
    %add3A_15 = arith.addi %mul3A_12, %mul3A_14 : i32
    "tpu.region"() ({
      %run_scoped3A = tpu.sem_alloc : memref<!tpu.dma_semaphore, #tpu.memory_space<semaphore_mem>>
      %dma_start3A = arith.constant 0 : i32
      %dma_start3A_16 = tpu.memref_slice %arg6[%add3A_15, %dma_start3A] : memref<20480x128xf32, #tpu.memory_space<hbm>> -> memref<640x128xf32, #tpu.memory_space<hbm>>
      %dma_start3A_17 = arith.constant 0 : i32
      %dma_start3A_18 = tpu.memref_slice %arg10[%mul3A_10, %dma_start3A_17] : memref<10240x128xf32, #tpu.memory_space<vmem_shared>> -> memref<640x128xf32, #tpu.memory_space<vmem_shared>>
      tpu.enqueue_dma source(%dma_start3A_18 : memref<640x128xf32, #tpu.memory_space<vmem_shared>>) target(%dma_start3A_16 : memref<640x128xf32, #tpu.memory_space<hbm>>) target_semaphore(%run_scoped3A : memref<!tpu.dma_semaphore, #tpu.memory_space<semaphore_mem>>)
      %dma_wait3A = arith.constant 0 : i32
      %dma_wait3A_19 = tpu.memref_slice %arg6[%add3A_15, %dma_wait3A] : memref<20480x128xf32, #tpu.memory_space<hbm>> -> memref<640x128xf32, #tpu.memory_space<hbm>>
      %dma_wait3A_20 = arith.constant 0 : i32
      %dma_wait3A_21 = tpu.memref_slice %arg10[%mul3A_10, %dma_wait3A_20] : memref<10240x128xf32, #tpu.memory_space<vmem_shared>> -> memref<640x128xf32, #tpu.memory_space<vmem_shared>>
      tpu.wait_dma2 semaphore(%run_scoped3A : memref<!tpu.dma_semaphore, #tpu.memory_space<semaphore_mem>>) src(%dma_wait3A_21 : memref<640x128xf32, #tpu.memory_space<vmem_shared>>) dst(%dma_wait3A_19 : memref<640x128xf32, #tpu.memory_space<hbm>>)
      tpu.yield
    }) : () -> ()
    return
  }
}

module attributes {stable_mosaic.version = 14 : i64} {
  func.func @_conv_body(%arg0: i32, %arg1: memref<2000x128xf32, #tpu.memory_space<vmem>>, %arg2: memref<2000x128xf32, #tpu.memory_space<vmem>>, %arg3: memref<2000x128xf32, #tpu.memory_space<vmem>>, %arg4: memref<128x128xf32, #tpu.memory_space<vmem>>, %arg5: memref<1x128xf32, #tpu.memory_space<vmem>>, %arg6: memref<128x128xf32, #tpu.memory_space<vmem>>, %arg7: memref<128x1xf32, #tpu.memory_space<vmem>>, %arg8: memref<2000x128xf32, #tpu.memory_space<vmem>>, %arg9: memref<2000x1xf32, #tpu.memory_space<vmem>>) attributes {dimension_semantics = [#tpu.dimension_semantics<arbitrary>], iteration_bounds = array<i64: 5>, scalar_prefetch = 0 : i64, scratch_operands = 0 : i64, tpu.core_type = #tpu.core_type<tc>, window_params = [{transform_indices = @transform_0, window_bounds = array<i64: 2000, 128>}, {transform_indices = @transform_1, window_bounds = array<i64: 2000, 128>}, {transform_indices = @transform_2, window_bounds = array<i64: 2000, 128>}, {pipeline_mode = #tpu.pipeline_mode<synchronous>, transform_indices = @transform_3, window_bounds = array<i64: 128, 128>}, {pipeline_mode = #tpu.pipeline_mode<synchronous>, transform_indices = @transform_4, window_bounds = array<i64: 1, 128>}, {pipeline_mode = #tpu.pipeline_mode<synchronous>, transform_indices = @transform_5, window_bounds = array<i64: 128, 128>}, {pipeline_mode = #tpu.pipeline_mode<synchronous>, transform_indices = @transform_6, window_bounds = array<i64: 128, 1>}, {transform_indices = @transform_7, window_bounds = array<i64: 2000, 128>}, {transform_indices = @transform_8, window_bounds = array<i64: 2000, 1>}]} {
    %get3A = arith.constant 0 : index
    %get3A_0 = arith.constant 0 : index
    %get3A_1 = vector.load %arg1[%get3A, %get3A_0] : memref<2000x128xf32, #tpu.memory_space<vmem>>, vector<2000x128xf32>
    %get3A_2 = arith.constant 0 : index
    %get3A_3 = arith.constant 0 : index
    %get3A_4 = vector.load %arg2[%get3A_2, %get3A_3] : memref<2000x128xf32, #tpu.memory_space<vmem>>, vector<2000x128xf32>
    %add3A = arith.addf %get3A_1, %get3A_4 : vector<2000x128xf32>
    %get3A_5 = arith.constant 0 : index
    %get3A_6 = arith.constant 0 : index
    %get3A_7 = vector.load %arg4[%get3A_5, %get3A_6] : memref<128x128xf32, #tpu.memory_space<vmem>>, vector<128x128xf32>
    %dot_general3A = arith.constant dense<0.000000e+00> : vector<2000x128xf32>
    %dot_general3A_8 = tpu.matmul %add3A, %get3A_7, %dot_general3A {dimension_numbers = #tpu.dot_dimension_numbers<[1], [0], [0], [1], [0, 0, 1, 1], [], []>, transpose_lhs_hint = false} : vector<2000x128xf32>, vector<128x128xf32>, vector<2000x128xf32> -> vector<2000x128xf32>
    %get3A_9 = arith.constant 0 : index
    %get3A_10 = arith.constant 0 : index
    %get3A_11 = vector.load %arg5[%get3A_9, %get3A_10] : memref<1x128xf32, #tpu.memory_space<vmem>>, vector<1x128xf32>
    %add3A_12 = vector.broadcast %get3A_11 : vector<1x128xf32> to vector<2000x128xf32>
    %add3A_13 = arith.addf %dot_general3A_8, %add3A_12 : vector<2000x128xf32>
    %get3A_14 = arith.constant 0 : index
    %get3A_15 = arith.constant 0 : index
    %get3A_16 = vector.load %arg3[%get3A_14, %get3A_15] : memref<2000x128xf32, #tpu.memory_space<vmem>>, vector<2000x128xf32>
    %get3A_17 = arith.constant 0 : index
    %get3A_18 = arith.constant 0 : index
    %get3A_19 = vector.load %arg6[%get3A_17, %get3A_18] : memref<128x128xf32, #tpu.memory_space<vmem>>, vector<128x128xf32>
    %dot_general3A_20 = arith.constant dense<0.000000e+00> : vector<2000x128xf32>
    %dot_general3A_21 = tpu.matmul %get3A_16, %get3A_19, %dot_general3A_20 {dimension_numbers = #tpu.dot_dimension_numbers<[1], [0], [0], [1], [0, 0, 1, 1], [], []>, transpose_lhs_hint = false} : vector<2000x128xf32>, vector<128x128xf32>, vector<2000x128xf32> -> vector<2000x128xf32>
    %add3A_22 = arith.addf %add3A_13, %dot_general3A_21 : vector<2000x128xf32>
    %max3A = arith.constant 0.000000e+00 : f32
    %max3A_23 = vector.broadcast %max3A : f32 to vector<2000x128xf32>
    %max3A_24 = arith.maximumf %add3A_22, %max3A_23 : vector<2000x128xf32>
    %get3A_25 = arith.constant 0 : index
    %get3A_26 = arith.constant 0 : index
    %get3A_27 = vector.load %arg7[%get3A_25, %get3A_26] : memref<128x1xf32, #tpu.memory_space<vmem>>, vector<128x1xf32>
    %mul3A = arith.mulf %get3A_27, %get3A_27 : vector<128x1xf32>
    %reduce_sum3A = vector.shape_cast %mul3A : vector<128x1xf32> to vector<1x128x1xf32>
    %reduce_sum3A_28 = arith.constant dense<0.000000e+00> : vector<1xf32>
    %reduce_sum3A_29 = vector.multi_reduction <add>, %reduce_sum3A, %reduce_sum3A_28 [1, 2] : vector<1x128x1xf32> to vector<1xf32>
    %reduce_sum3A_30 = vector.shape_cast %reduce_sum3A_29 : vector<1xf32> to vector<1x1x1xf32>
    %reduce_sum3A_31 = vector.extract %reduce_sum3A_30[0, 0, 0] : f32 from vector<1x1x1xf32>
    %rsqrt3A = math.rsqrt %reduce_sum3A_31 : f32
    %swap3A = arith.constant 0 : index
    %swap3A_32 = arith.constant 0 : index
    %swap3A_33 = vector.load %arg8[%swap3A, %swap3A_32] : memref<2000x128xf32, #tpu.memory_space<vmem>>, vector<2000x128xf32>
    tpu.vector_store %arg8[%swap3A, %swap3A_32], %max3A_24 {strides = array<i32>} : memref<2000x128xf32, #tpu.memory_space<vmem>>, vector<2000x128xf32>,
    %dot_general3A_34 = arith.constant dense<0.000000e+00> : vector<2000x1xf32>
    %dot_general3A_35 = tpu.matmul %max3A_24, %get3A_27, %dot_general3A_34 {dimension_numbers = #tpu.dot_dimension_numbers<[1], [0], [0], [1], [0, 0, 1, 1], [], []>, transpose_lhs_hint = false} : vector<2000x128xf32>, vector<128x1xf32>, vector<2000x1xf32> -> vector<2000x1xf32>
    %mul3A_36 = vector.broadcast %rsqrt3A : f32 to vector<2000x1xf32>
    %mul3A_37 = arith.mulf %dot_general3A_35, %mul3A_36 : vector<2000x1xf32>
    %swap3A_38 = arith.constant 0 : index
    %swap3A_39 = arith.constant 0 : index
    %swap3A_40 = vector.load %arg9[%swap3A_38, %swap3A_39] : memref<2000x1xf32, #tpu.memory_space<vmem>>, vector<2000x1xf32>
    tpu.vector_store %arg9[%swap3A_38, %swap3A_39], %mul3A_37 {strides = array<i32>} : memref<2000x1xf32, #tpu.memory_space<vmem>>, vector<2000x1xf32>,
    return
  }
  func.func @transform_0(%arg0: i32) -> (i32, i32) {
    %c0_i32 = arith.constant 0 : i32
    %c0_i32_0 = arith.constant 0 : i32
    return %arg0, %c0_i32 : i32, i32
  }
  func.func @transform_1(%arg0: i32) -> (i32, i32) {
    %c0_i32 = arith.constant 0 : i32
    %c0_i32_0 = arith.constant 0 : i32
    return %arg0, %c0_i32 : i32, i32
  }
  func.func @transform_2(%arg0: i32) -> (i32, i32) {
    %c0_i32 = arith.constant 0 : i32
    %c0_i32_0 = arith.constant 0 : i32
    return %arg0, %c0_i32 : i32, i32
  }
  func.func @transform_3(%arg0: i32) -> (i32, i32) {
    %c0_i32 = arith.constant 0 : i32
    %c0_i32_0 = arith.constant 0 : i32
    %c0_i32_1 = arith.constant 0 : i32
    return %c0_i32, %c0_i32_0 : i32, i32
  }
  func.func @transform_4(%arg0: i32) -> (i32, i32) {
    %c0_i32 = arith.constant 0 : i32
    %c0_i32_0 = arith.constant 0 : i32
    %c0_i32_1 = arith.constant 0 : i32
    return %c0_i32, %c0_i32_0 : i32, i32
  }
  func.func @transform_5(%arg0: i32) -> (i32, i32) {
    %c0_i32 = arith.constant 0 : i32
    %c0_i32_0 = arith.constant 0 : i32
    %c0_i32_1 = arith.constant 0 : i32
    return %c0_i32, %c0_i32_0 : i32, i32
  }
  func.func @transform_6(%arg0: i32) -> (i32, i32) {
    %c0_i32 = arith.constant 0 : i32
    %c0_i32_0 = arith.constant 0 : i32
    %c0_i32_1 = arith.constant 0 : i32
    return %c0_i32, %c0_i32_0 : i32, i32
  }
  func.func @transform_7(%arg0: i32) -> (i32, i32) {
    %c0_i32 = arith.constant 0 : i32
    %c0_i32_0 = arith.constant 0 : i32
    return %arg0, %c0_i32 : i32, i32
  }
  func.func @transform_8(%arg0: i32) -> (i32, i32) {
    %c0_i32 = arith.constant 0 : i32
    %c0_i32_0 = arith.constant 0 : i32
    return %arg0, %c0_i32 : i32, i32
  }
}

module attributes {stable_mosaic.version = 14 : i64} {
  func.func @_select_body(%arg0: memref<8x1280xf32, #tpu.memory_space<vmem>>, %arg1: memref<8x1280xf32, #tpu.memory_space<vmem>>, %arg2: memref<8x1280xf32, #tpu.memory_space<vmem>>, %arg3: memref<8x1280xf32, #tpu.memory_space<vmem>>, %arg4: memref<8x1280xf32, #tpu.memory_space<vmem>>) attributes {dimension_semantics = [], scalar_prefetch = 0 : i64, scratch_operands = 0 : i64, tpu.core_type = #tpu.core_type<tc>} {
    %get3A = arith.constant 0 : index
    %get3A_0 = arith.constant 0 : index
    %get3A_1 = vector.load %arg1[%get3A, %get3A_0] : memref<8x1280xf32, #tpu.memory_space<vmem>>, vector<8x1280xf32>
    %get3A_2 = arith.constant 0 : index
    %get3A_3 = arith.constant 0 : index
    %get3A_4 = vector.load %arg0[%get3A_2, %get3A_3] : memref<8x1280xf32, #tpu.memory_space<vmem>>, vector<8x1280xf32>
    %tanh3A = math.tanh %get3A_4 : vector<8x1280xf32>
    %gt3A = arith.constant 0.000000e+00 : f32
    %gt3A_5 = vector.broadcast %gt3A : f32 to vector<8x1280xf32>
    %gt3A_6 = arith.cmpf ogt, %get3A_1, %gt3A_5 : vector<8x1280xf32>
    %jit3A = arith.constant 0xFF800000 : f32
    %broadcast_in_dim3A = vector.broadcast %jit3A : f32 to vector<8x1280xf32>
    %select_n3A = arith.select %gt3A_6, %tanh3A, %broadcast_in_dim3A : vector<8x1280xi1>, vector<8x1280xf32>
    %bitcast_convert_type3A = tpu.bitcast %select_n3A : vector<8x1280xf32> -> vector<8x1280xi32>
    %ge3A = arith.constant 0 : i32
    %ge3A_7 = vector.broadcast %ge3A : i32 to vector<8x1280xi32>
    %ge3A_8 = arith.cmpi sge, %bitcast_convert_type3A, %ge3A_7 : vector<8x1280xi32>
    %xor3A = arith.constant 2147483647 : i32
    %xor3A_9 = vector.broadcast %xor3A : i32 to vector<8x1280xi32>
    %xor3A_10 = arith.xori %bitcast_convert_type3A, %xor3A_9 : vector<8x1280xi32>
    %select_n3A_11 = arith.select %ge3A_8, %bitcast_convert_type3A, %xor3A_10 : vector<8x1280xi1>, vector<8x1280xi32>
    %iota3A = tpu.iota {dimensions = array<i32: 0>} : vector<8x1280xi32>
    %mul3A = arith.constant 1280 : i32
    %mul3A_12 = vector.broadcast %mul3A : i32 to vector<8x1280xi32>
    %mul3A_13 = arith.muli %iota3A, %mul3A_12 : vector<8x1280xi32>
    %iota3A_14 = tpu.iota {dimensions = array<i32: 1>} : vector<8x1280xi32>
    %add3A = arith.addi %mul3A_13, %iota3A_14 : vector<8x1280xi32>
    %broadcast_in_dim3A_15 = arith.constant false
    %broadcast_in_dim3A_16 = vector.broadcast %broadcast_in_dim3A_15 : i1 to vector<8x1280xi1>
    %broadcast_in_dim3A_17 = arith.constant true
    %broadcast_in_dim3A_18 = vector.broadcast %broadcast_in_dim3A_17 : i1 to vector<8x1280xi1>
    %shift_right_arithmetic3A = arith.constant 16 : i32
    %shift_right_arithmetic3A_19 = vector.broadcast %shift_right_arithmetic3A : i32 to vector<8x1280xi32>
    %shift_right_arithmetic3A_20 = arith.shrsi %select_n3A_11, %shift_right_arithmetic3A_19 : vector<8x1280xi32>
    %and3A = arith.constant 65535 : i32
    %and3A_21 = vector.broadcast %and3A : i32 to vector<8x1280xi32>
    %and3A_22 = arith.andi %select_n3A_11, %and3A_21 : vector<8x1280xi32>
    %scan3A = arith.constant 8000 : i32
    %scan3A_23 = arith.constant -32768 : i32
    %scan3A_24 = arith.constant 32768 : i32
    %scan3A_25 = arith.constant 0 : i32
    %scan3A_26 = arith.constant 17 : i32
    %scan3A_27 = arith.addi %scan3A_25, %scan3A_26 : i32
    %scan3A_28 = arith.constant 1 : i32
    %scan3A_29:2 = scf.for %scan3A_87 = %scan3A_25 to %scan3A_27 step %scan3A_28 iter_args(%scan3A_88 = %scan3A_23, %scan3A_89 = %scan3A_24) -> (i32, i32)  : i32 {
      %add3A_90 = arith.addi %scan3A_88, %scan3A_89 : i32
      %shift_right_arithmetic3A_91 = arith.constant 1 : i32
      %shift_right_arithmetic3A_92 = arith.shrsi %add3A_90, %shift_right_arithmetic3A_91 : i32
      %ge3A_93 = vector.broadcast %shift_right_arithmetic3A_92 : i32 to vector<8x1280xi32>
      %ge3A_94 = arith.cmpi sge, %shift_right_arithmetic3A_20, %ge3A_93 : vector<8x1280xi32>
      %and3A_95 = arith.andi %broadcast_in_dim3A_18, %ge3A_94 : vector<8x1280xi1>
      %convert_element_type3A_96 = arith.extui %and3A_95 : vector<8x1280xi1> to vector<8x1280xi32>
      %reduce_sum3A_97 = vector.shape_cast %convert_element_type3A_96 : vector<8x1280xi32> to vector<1x8x1280xi32>
      %reduce_sum3A_98 = arith.constant dense<0> : vector<1xi32>
      %reduce_sum3A_99 = vector.multi_reduction <add>, %reduce_sum3A_97, %reduce_sum3A_98 [1, 2] : vector<1x8x1280xi32> to vector<1xi32>
      %reduce_sum3A_100 = vector.shape_cast %reduce_sum3A_99 : vector<1xi32> to vector<1x1x1xi32>
      %reduce_sum3A_101 = vector.extract %reduce_sum3A_100[0, 0, 0] : i32 from vector<1x1x1xi32>
      %ge3A_102 = arith.cmpi sge, %reduce_sum3A_101, %scan3A : i32
      %select_n3A_103 = arith.select %ge3A_102, %shift_right_arithmetic3A_92, %scan3A_88 : i32
      %select_n3A_104 = arith.select %ge3A_102, %scan3A_89, %shift_right_arithmetic3A_92 : i32
      scf.yield %select_n3A_103, %select_n3A_104 : i32, i32
    }
    %eq3A = vector.broadcast %scan3A_29#0 : i32 to vector<8x1280xi32>
    %eq3A_30 = arith.cmpi eq, %shift_right_arithmetic3A_20, %eq3A : vector<8x1280xi32>
    %and3A_31 = arith.andi %broadcast_in_dim3A_18, %eq3A_30 : vector<8x1280xi1>
    %gt3A_32 = vector.broadcast %scan3A_29#0 : i32 to vector<8x1280xi32>
    %gt3A_33 = arith.cmpi sgt, %shift_right_arithmetic3A_20, %gt3A_32 : vector<8x1280xi32>
    %and3A_34 = arith.andi %broadcast_in_dim3A_18, %gt3A_33 : vector<8x1280xi1>
    %convert_element_type3A = arith.extui %and3A_34 : vector<8x1280xi1> to vector<8x1280xi32>
    %reduce_sum3A = vector.shape_cast %convert_element_type3A : vector<8x1280xi32> to vector<1x8x1280xi32>
    %reduce_sum3A_35 = arith.constant dense<0> : vector<1xi32>
    %reduce_sum3A_36 = vector.multi_reduction <add>, %reduce_sum3A, %reduce_sum3A_35 [1, 2] : vector<1x8x1280xi32> to vector<1xi32>
    %reduce_sum3A_37 = vector.shape_cast %reduce_sum3A_36 : vector<1xi32> to vector<1x1x1xi32>
    %reduce_sum3A_38 = vector.extract %reduce_sum3A_37[0, 0, 0] : i32 from vector<1x1x1xi32>
    %sub3A = arith.constant 8000 : i32
    %sub3A_39 = arith.subi %sub3A, %reduce_sum3A_38 : i32
    %scan3A_40 = arith.constant 0 : i32
    %scan3A_41 = arith.constant 65536 : i32
    %scan3A_42 = arith.constant 0 : i32
    %scan3A_43 = arith.constant 17 : i32
    %scan3A_44 = arith.addi %scan3A_42, %scan3A_43 : i32
    %scan3A_45 = arith.constant 1 : i32
    %scan3A_46:2 = scf.for %scan3A_87 = %scan3A_42 to %scan3A_44 step %scan3A_45 iter_args(%scan3A_88 = %scan3A_40, %scan3A_89 = %scan3A_41) -> (i32, i32)  : i32 {
      %add3A_90 = arith.addi %scan3A_88, %scan3A_89 : i32
      %shift_right_arithmetic3A_91 = arith.constant 1 : i32
      %shift_right_arithmetic3A_92 = arith.shrsi %add3A_90, %shift_right_arithmetic3A_91 : i32
      %ge3A_93 = vector.broadcast %shift_right_arithmetic3A_92 : i32 to vector<8x1280xi32>
      %ge3A_94 = arith.cmpi sge, %and3A_22, %ge3A_93 : vector<8x1280xi32>
      %and3A_95 = arith.andi %and3A_31, %ge3A_94 : vector<8x1280xi1>
      %convert_element_type3A_96 = arith.extui %and3A_95 : vector<8x1280xi1> to vector<8x1280xi32>
      %reduce_sum3A_97 = vector.shape_cast %convert_element_type3A_96 : vector<8x1280xi32> to vector<1x8x1280xi32>
      %reduce_sum3A_98 = arith.constant dense<0> : vector<1xi32>
      %reduce_sum3A_99 = vector.multi_reduction <add>, %reduce_sum3A_97, %reduce_sum3A_98 [1, 2] : vector<1x8x1280xi32> to vector<1xi32>
      %reduce_sum3A_100 = vector.shape_cast %reduce_sum3A_99 : vector<1xi32> to vector<1x1x1xi32>
      %reduce_sum3A_101 = vector.extract %reduce_sum3A_100[0, 0, 0] : i32 from vector<1x1x1xi32>
      %ge3A_102 = arith.cmpi sge, %reduce_sum3A_101, %sub3A_39 : i32
      %select_n3A_103 = arith.select %ge3A_102, %shift_right_arithmetic3A_92, %scan3A_88 : i32
      %select_n3A_104 = arith.select %ge3A_102, %scan3A_89, %shift_right_arithmetic3A_92 : i32
      scf.yield %select_n3A_103, %select_n3A_104 : i32, i32
    }
    %gt3A_47 = vector.broadcast %scan3A_46#0 : i32 to vector<8x1280xi32>
    %gt3A_48 = arith.cmpi sgt, %and3A_22, %gt3A_47 : vector<8x1280xi32>
    %and3A_49 = arith.andi %and3A_31, %gt3A_48 : vector<8x1280xi1>
    %gt3A_50 = vector.broadcast %scan3A_29#0 : i32 to vector<8x1280xi32>
    %gt3A_51 = arith.cmpi sgt, %shift_right_arithmetic3A_20, %gt3A_50 : vector<8x1280xi32>
    %and3A_52 = arith.andi %broadcast_in_dim3A_18, %gt3A_51 : vector<8x1280xi1>
    %or3A = arith.ori %broadcast_in_dim3A_16, %and3A_52 : vector<8x1280xi1>
    %or3A_53 = arith.ori %or3A, %and3A_49 : vector<8x1280xi1>
    %convert_element_type3A_54 = arith.extui %and3A_49 : vector<8x1280xi1> to vector<8x1280xi32>
    %reduce_sum3A_55 = vector.shape_cast %convert_element_type3A_54 : vector<8x1280xi32> to vector<1x8x1280xi32>
    %reduce_sum3A_56 = arith.constant dense<0> : vector<1xi32>
    %reduce_sum3A_57 = vector.multi_reduction <add>, %reduce_sum3A_55, %reduce_sum3A_56 [1, 2] : vector<1x8x1280xi32> to vector<1xi32>
    %reduce_sum3A_58 = vector.shape_cast %reduce_sum3A_57 : vector<1xi32> to vector<1x1x1xi32>
    %reduce_sum3A_59 = vector.extract %reduce_sum3A_58[0, 0, 0] : i32 from vector<1x1x1xi32>
    %sub3A_60 = arith.subi %sub3A_39, %reduce_sum3A_59 : i32
    %eq3A_61 = vector.broadcast %scan3A_46#0 : i32 to vector<8x1280xi32>
    %eq3A_62 = arith.cmpi eq, %and3A_22, %eq3A_61 : vector<8x1280xi32>
    %and3A_63 = arith.andi %and3A_31, %eq3A_62 : vector<8x1280xi1>
    %scan3A_64 = arith.constant 0 : i32
    %scan3A_65 = arith.constant 10240 : i32
    %scan3A_66 = arith.constant 0 : i32
    %scan3A_67 = arith.constant 14 : i32
    %scan3A_68 = arith.addi %scan3A_66, %scan3A_67 : i32
    %scan3A_69 = arith.constant 1 : i32
    %scan3A_70:2 = scf.for %scan3A_87 = %scan3A_66 to %scan3A_68 step %scan3A_69 iter_args(%scan3A_88 = %scan3A_64, %scan3A_89 = %scan3A_65) -> (i32, i32)  : i32 {
      %add3A_90 = arith.addi %scan3A_88, %scan3A_89 : i32
      %shift_right_arithmetic3A_91 = arith.constant 1 : i32
      %shift_right_arithmetic3A_92 = arith.shrsi %add3A_90, %shift_right_arithmetic3A_91 : i32
      %lt3A_93 = vector.broadcast %shift_right_arithmetic3A_92 : i32 to vector<8x1280xi32>
      %lt3A_94 = arith.cmpi slt, %add3A, %lt3A_93 : vector<8x1280xi32>
      %and3A_95 = arith.andi %and3A_63, %lt3A_94 : vector<8x1280xi1>
      %convert_element_type3A_96 = arith.extui %and3A_95 : vector<8x1280xi1> to vector<8x1280xi32>
      %reduce_sum3A_97 = vector.shape_cast %convert_element_type3A_96 : vector<8x1280xi32> to vector<1x8x1280xi32>
      %reduce_sum3A_98 = arith.constant dense<0> : vector<1xi32>
      %reduce_sum3A_99 = vector.multi_reduction <add>, %reduce_sum3A_97, %reduce_sum3A_98 [1, 2] : vector<1x8x1280xi32> to vector<1xi32>
      %reduce_sum3A_100 = vector.shape_cast %reduce_sum3A_99 : vector<1xi32> to vector<1x1x1xi32>
      %reduce_sum3A_101 = vector.extract %reduce_sum3A_100[0, 0, 0] : i32 from vector<1x1x1xi32>
      %ge3A_102 = arith.cmpi sge, %reduce_sum3A_101, %sub3A_60 : i32
      %select_n3A_103 = arith.select %ge3A_102, %scan3A_88, %shift_right_arithmetic3A_92 : i32
      %select_n3A_104 = arith.select %ge3A_102, %shift_right_arithmetic3A_92, %scan3A_89 : i32
      scf.yield %select_n3A_103, %select_n3A_104 : i32, i32
    }
    %lt3A = vector.broadcast %scan3A_70#1 : i32 to vector<8x1280xi32>
    %lt3A_71 = arith.cmpi slt, %add3A, %lt3A : vector<8x1280xi32>
    %and3A_72 = arith.andi %and3A_63, %lt3A_71 : vector<8x1280xi1>
    %or3A_73 = arith.ori %or3A_53, %and3A_72 : vector<8x1280xi1>
    %convert_element_type3A_74 = arith.extui %or3A_73 : vector<8x1280xi1> to vector<8x1280xi32>
    %convert_element_type3A_75 = arith.sitofp %convert_element_type3A_74 : vector<8x1280xi32> to vector<8x1280xf32>
    %swap3A = arith.constant 0 : index
    %swap3A_76 = arith.constant 0 : index
    %swap3A_77 = vector.load %arg2[%swap3A, %swap3A_76] : memref<8x1280xf32, #tpu.memory_space<vmem>>, vector<8x1280xf32>
    tpu.vector_store %arg2[%swap3A, %swap3A_76], %convert_element_type3A_75 {strides = array<i32>} : memref<8x1280xf32, #tpu.memory_space<vmem>>, vector<8x1280xf32>,
    %jit3A_78 = arith.constant 0.000000e+00 : f32
    %broadcast_in_dim3A_79 = vector.broadcast %jit3A_78 : f32 to vector<8x1280xf32>
    %select_n3A_80 = arith.select %or3A_73, %tanh3A, %broadcast_in_dim3A_79 : vector<8x1280xi1>, vector<8x1280xf32>
    %swap3A_81 = arith.constant 0 : index
    %swap3A_82 = arith.constant 0 : index
    %swap3A_83 = vector.load %arg3[%swap3A_81, %swap3A_82] : memref<8x1280xf32, #tpu.memory_space<vmem>>, vector<8x1280xf32>
    tpu.vector_store %arg3[%swap3A_81, %swap3A_82], %select_n3A_80 {strides = array<i32>} : memref<8x1280xf32, #tpu.memory_space<vmem>>, vector<8x1280xf32>,
    %swap3A_84 = arith.constant 0 : index
    %swap3A_85 = arith.constant 0 : index
    %swap3A_86 = vector.load %arg4[%swap3A_84, %swap3A_85] : memref<8x1280xf32, #tpu.memory_space<vmem>>, vector<8x1280xf32>
    tpu.vector_store %arg4[%swap3A_84, %swap3A_85], %tanh3A {strides = array<i32>} : memref<8x1280xf32, #tpu.memory_space<vmem>>, vector<8x1280xf32>,
    return
  }
}

module attributes {stable_mosaic.version = 14 : i64} {
  func.func @_scale_body(%arg0: i32, %arg1: memref<2000x128xf32, #tpu.memory_space<vmem>>, %arg2: memref<2000x1xf32, #tpu.memory_space<vmem>>, %arg3: memref<2000x128xf32, #tpu.memory_space<vmem>>) attributes {dimension_semantics = [#tpu.dimension_semantics<arbitrary>], iteration_bounds = array<i64: 5>, scalar_prefetch = 0 : i64, scratch_operands = 0 : i64, tpu.core_type = #tpu.core_type<tc>, window_params = [{transform_indices = @transform_0, window_bounds = array<i64: 2000, 128>}, {transform_indices = @transform_1, window_bounds = array<i64: 2000, 1>}, {transform_indices = @transform_2, window_bounds = array<i64: 2000, 128>}]} {
    %get3A = arith.constant 0 : index
    %get3A_0 = arith.constant 0 : index
    %get3A_1 = vector.load %arg1[%get3A, %get3A_0] : memref<2000x128xf32, #tpu.memory_space<vmem>>, vector<2000x128xf32>
    %get3A_2 = arith.constant 0 : index
    %get3A_3 = arith.constant 0 : index
    %get3A_4 = vector.load %arg2[%get3A_2, %get3A_3] : memref<2000x1xf32, #tpu.memory_space<vmem>>, vector<2000x1xf32>
    %mul3A = vector.broadcast %get3A_4 : vector<2000x1xf32> to vector<2000x128xf32>
    %mul3A_5 = arith.mulf %get3A_1, %mul3A : vector<2000x128xf32>
    %swap3A = arith.constant 0 : index
    %swap3A_6 = arith.constant 0 : index
    %swap3A_7 = vector.load %arg3[%swap3A, %swap3A_6] : memref<2000x128xf32, #tpu.memory_space<vmem>>, vector<2000x128xf32>
    tpu.vector_store %arg3[%swap3A, %swap3A_6], %mul3A_5 {strides = array<i32>} : memref<2000x128xf32, #tpu.memory_space<vmem>>, vector<2000x128xf32>,
    return
  }
  func.func @transform_0(%arg0: i32) -> (i32, i32) {
    %c0_i32 = arith.constant 0 : i32
    %c0_i32_0 = arith.constant 0 : i32
    return %arg0, %c0_i32 : i32, i32
  }
  func.func @transform_1(%arg0: i32) -> (i32, i32) {
    %c0_i32 = arith.constant 0 : i32
    %c0_i32_0 = arith.constant 0 : i32
    return %arg0, %c0_i32 : i32, i32
  }
  func.func @transform_2(%arg0: i32) -> (i32, i32) {
    %c0_i32 = arith.constant 0 : i32
    %c0_i32_0 = arith.constant 0 : i32
    return %arg0, %c0_i32 : i32, i32
  }
}

module attributes {stable_mosaic.version = 14 : i64} {
  func.func @_select_body(%arg0: memref<8x1280xf32, #tpu.memory_space<vmem>>, %arg1: memref<8x1280xf32, #tpu.memory_space<vmem>>, %arg2: memref<8x1280xf32, #tpu.memory_space<vmem>>, %arg3: memref<8x1280xf32, #tpu.memory_space<vmem>>, %arg4: memref<8x1280xf32, #tpu.memory_space<vmem>>, %arg5: memref<8x1280xf32, #tpu.memory_space<vmem>>) attributes {dimension_semantics = [], scalar_prefetch = 0 : i64, scratch_operands = 0 : i64, tpu.core_type = #tpu.core_type<tc>} {
    %get3A = arith.constant 0 : index
    %get3A_0 = arith.constant 0 : index
    %get3A_1 = vector.load %arg1[%get3A, %get3A_0] : memref<8x1280xf32, #tpu.memory_space<vmem>>, vector<8x1280xf32>
    %get3A_2 = arith.constant 0 : index
    %get3A_3 = arith.constant 0 : index
    %get3A_4 = vector.load %arg0[%get3A_2, %get3A_3] : memref<8x1280xf32, #tpu.memory_space<vmem>>, vector<8x1280xf32>
    %tanh3A = math.tanh %get3A_4 : vector<8x1280xf32>
    %gt3A = arith.constant 0.000000e+00 : f32
    %gt3A_5 = vector.broadcast %gt3A : f32 to vector<8x1280xf32>
    %gt3A_6 = arith.cmpf ogt, %get3A_1, %gt3A_5 : vector<8x1280xf32>
    %jit3A = arith.constant 0xFF800000 : f32
    %broadcast_in_dim3A = vector.broadcast %jit3A : f32 to vector<8x1280xf32>
    %select_n3A = arith.select %gt3A_6, %tanh3A, %broadcast_in_dim3A : vector<8x1280xi1>, vector<8x1280xf32>
    %bitcast_convert_type3A = tpu.bitcast %select_n3A : vector<8x1280xf32> -> vector<8x1280xi32>
    %ge3A = arith.constant 0 : i32
    %ge3A_7 = vector.broadcast %ge3A : i32 to vector<8x1280xi32>
    %ge3A_8 = arith.cmpi sge, %bitcast_convert_type3A, %ge3A_7 : vector<8x1280xi32>
    %xor3A = arith.constant 2147483647 : i32
    %xor3A_9 = vector.broadcast %xor3A : i32 to vector<8x1280xi32>
    %xor3A_10 = arith.xori %bitcast_convert_type3A, %xor3A_9 : vector<8x1280xi32>
    %select_n3A_11 = arith.select %ge3A_8, %bitcast_convert_type3A, %xor3A_10 : vector<8x1280xi1>, vector<8x1280xi32>
    %get3A_12 = arith.constant 0 : index
    %get3A_13 = arith.constant 0 : index
    %get3A_14 = vector.load %arg2[%get3A_12, %get3A_13] : memref<8x1280xf32, #tpu.memory_space<vmem>>, vector<8x1280xf32>
    %bitcast_convert_type3A_15 = tpu.bitcast %get3A_14 : vector<8x1280xf32> -> vector<8x1280xi32>
    %ge3A_16 = arith.constant 0 : i32
    %ge3A_17 = vector.broadcast %ge3A_16 : i32 to vector<8x1280xi32>
    %ge3A_18 = arith.cmpi sge, %bitcast_convert_type3A_15, %ge3A_17 : vector<8x1280xi32>
    %xor3A_19 = arith.constant 2147483647 : i32
    %xor3A_20 = vector.broadcast %xor3A_19 : i32 to vector<8x1280xi32>
    %xor3A_21 = arith.xori %bitcast_convert_type3A_15, %xor3A_20 : vector<8x1280xi32>
    %select_n3A_22 = arith.select %ge3A_18, %bitcast_convert_type3A_15, %xor3A_21 : vector<8x1280xi1>, vector<8x1280xi32>
    %iota3A = tpu.iota {dimensions = array<i32: 0>} : vector<8x1280xi32>
    %mul3A = arith.constant 1280 : i32
    %mul3A_23 = vector.broadcast %mul3A : i32 to vector<8x1280xi32>
    %mul3A_24 = arith.muli %iota3A, %mul3A_23 : vector<8x1280xi32>
    %iota3A_25 = tpu.iota {dimensions = array<i32: 1>} : vector<8x1280xi32>
    %add3A = arith.addi %mul3A_24, %iota3A_25 : vector<8x1280xi32>
    %broadcast_in_dim3A_26 = arith.constant false
    %broadcast_in_dim3A_27 = vector.broadcast %broadcast_in_dim3A_26 : i1 to vector<8x1280xi1>
    %broadcast_in_dim3A_28 = arith.constant true
    %broadcast_in_dim3A_29 = vector.broadcast %broadcast_in_dim3A_28 : i1 to vector<8x1280xi1>
    %shift_right_arithmetic3A = arith.constant 16 : i32
    %shift_right_arithmetic3A_30 = vector.broadcast %shift_right_arithmetic3A : i32 to vector<8x1280xi32>
    %shift_right_arithmetic3A_31 = arith.shrsi %select_n3A_11, %shift_right_arithmetic3A_30 : vector<8x1280xi32>
    %and3A = arith.constant 65535 : i32
    %and3A_32 = vector.broadcast %and3A : i32 to vector<8x1280xi32>
    %and3A_33 = arith.andi %select_n3A_11, %and3A_32 : vector<8x1280xi32>
    %scan3A = arith.constant 6400 : i32
    %scan3A_34 = arith.constant -32768 : i32
    %scan3A_35 = arith.constant 32768 : i32
    %scan3A_36 = arith.constant 0 : i32
    %scan3A_37 = arith.constant 17 : i32
    %scan3A_38 = arith.addi %scan3A_36, %scan3A_37 : i32
    %scan3A_39 = arith.constant 1 : i32
    %scan3A_40:2 = scf.for %scan3A_149 = %scan3A_36 to %scan3A_38 step %scan3A_39 iter_args(%scan3A_150 = %scan3A_34, %scan3A_151 = %scan3A_35) -> (i32, i32)  : i32 {
      %add3A_152 = arith.addi %scan3A_150, %scan3A_151 : i32
      %shift_right_arithmetic3A_153 = arith.constant 1 : i32
      %shift_right_arithmetic3A_154 = arith.shrsi %add3A_152, %shift_right_arithmetic3A_153 : i32
      %ge3A_155 = vector.broadcast %shift_right_arithmetic3A_154 : i32 to vector<8x1280xi32>
      %ge3A_156 = arith.cmpi sge, %shift_right_arithmetic3A_31, %ge3A_155 : vector<8x1280xi32>
      %and3A_157 = arith.andi %broadcast_in_dim3A_29, %ge3A_156 : vector<8x1280xi1>
      %convert_element_type3A_158 = arith.extui %and3A_157 : vector<8x1280xi1> to vector<8x1280xi32>
      %reduce_sum3A_159 = vector.shape_cast %convert_element_type3A_158 : vector<8x1280xi32> to vector<1x8x1280xi32>
      %reduce_sum3A_160 = arith.constant dense<0> : vector<1xi32>
      %reduce_sum3A_161 = vector.multi_reduction <add>, %reduce_sum3A_159, %reduce_sum3A_160 [1, 2] : vector<1x8x1280xi32> to vector<1xi32>
      %reduce_sum3A_162 = vector.shape_cast %reduce_sum3A_161 : vector<1xi32> to vector<1x1x1xi32>
      %reduce_sum3A_163 = vector.extract %reduce_sum3A_162[0, 0, 0] : i32 from vector<1x1x1xi32>
      %ge3A_164 = arith.cmpi sge, %reduce_sum3A_163, %scan3A : i32
      %select_n3A_165 = arith.select %ge3A_164, %shift_right_arithmetic3A_154, %scan3A_150 : i32
      %select_n3A_166 = arith.select %ge3A_164, %scan3A_151, %shift_right_arithmetic3A_154 : i32
      scf.yield %select_n3A_165, %select_n3A_166 : i32, i32
    }
    %eq3A = vector.broadcast %scan3A_40#0 : i32 to vector<8x1280xi32>
    %eq3A_41 = arith.cmpi eq, %shift_right_arithmetic3A_31, %eq3A : vector<8x1280xi32>
    %and3A_42 = arith.andi %broadcast_in_dim3A_29, %eq3A_41 : vector<8x1280xi1>
    %gt3A_43 = vector.broadcast %scan3A_40#0 : i32 to vector<8x1280xi32>
    %gt3A_44 = arith.cmpi sgt, %shift_right_arithmetic3A_31, %gt3A_43 : vector<8x1280xi32>
    %and3A_45 = arith.andi %broadcast_in_dim3A_29, %gt3A_44 : vector<8x1280xi1>
    %convert_element_type3A = arith.extui %and3A_45 : vector<8x1280xi1> to vector<8x1280xi32>
    %reduce_sum3A = vector.shape_cast %convert_element_type3A : vector<8x1280xi32> to vector<1x8x1280xi32>
    %reduce_sum3A_46 = arith.constant dense<0> : vector<1xi32>
    %reduce_sum3A_47 = vector.multi_reduction <add>, %reduce_sum3A, %reduce_sum3A_46 [1, 2] : vector<1x8x1280xi32> to vector<1xi32>
    %reduce_sum3A_48 = vector.shape_cast %reduce_sum3A_47 : vector<1xi32> to vector<1x1x1xi32>
    %reduce_sum3A_49 = vector.extract %reduce_sum3A_48[0, 0, 0] : i32 from vector<1x1x1xi32>
    %sub3A = arith.constant 6400 : i32
    %sub3A_50 = arith.subi %sub3A, %reduce_sum3A_49 : i32
    %scan3A_51 = arith.constant 0 : i32
    %scan3A_52 = arith.constant 65536 : i32
    %scan3A_53 = arith.constant 0 : i32
    %scan3A_54 = arith.constant 17 : i32
    %scan3A_55 = arith.addi %scan3A_53, %scan3A_54 : i32
    %scan3A_56 = arith.constant 1 : i32
    %scan3A_57:2 = scf.for %scan3A_149 = %scan3A_53 to %scan3A_55 step %scan3A_56 iter_args(%scan3A_150 = %scan3A_51, %scan3A_151 = %scan3A_52) -> (i32, i32)  : i32 {
      %add3A_152 = arith.addi %scan3A_150, %scan3A_151 : i32
      %shift_right_arithmetic3A_153 = arith.constant 1 : i32
      %shift_right_arithmetic3A_154 = arith.shrsi %add3A_152, %shift_right_arithmetic3A_153 : i32
      %ge3A_155 = vector.broadcast %shift_right_arithmetic3A_154 : i32 to vector<8x1280xi32>
      %ge3A_156 = arith.cmpi sge, %and3A_33, %ge3A_155 : vector<8x1280xi32>
      %and3A_157 = arith.andi %and3A_42, %ge3A_156 : vector<8x1280xi1>
      %convert_element_type3A_158 = arith.extui %and3A_157 : vector<8x1280xi1> to vector<8x1280xi32>
      %reduce_sum3A_159 = vector.shape_cast %convert_element_type3A_158 : vector<8x1280xi32> to vector<1x8x1280xi32>
      %reduce_sum3A_160 = arith.constant dense<0> : vector<1xi32>
      %reduce_sum3A_161 = vector.multi_reduction <add>, %reduce_sum3A_159, %reduce_sum3A_160 [1, 2] : vector<1x8x1280xi32> to vector<1xi32>
      %reduce_sum3A_162 = vector.shape_cast %reduce_sum3A_161 : vector<1xi32> to vector<1x1x1xi32>
      %reduce_sum3A_163 = vector.extract %reduce_sum3A_162[0, 0, 0] : i32 from vector<1x1x1xi32>
      %ge3A_164 = arith.cmpi sge, %reduce_sum3A_163, %sub3A_50 : i32
      %select_n3A_165 = arith.select %ge3A_164, %shift_right_arithmetic3A_154, %scan3A_150 : i32
      %select_n3A_166 = arith.select %ge3A_164, %scan3A_151, %shift_right_arithmetic3A_154 : i32
      scf.yield %select_n3A_165, %select_n3A_166 : i32, i32
    }
    %gt3A_58 = vector.broadcast %scan3A_57#0 : i32 to vector<8x1280xi32>
    %gt3A_59 = arith.cmpi sgt, %and3A_33, %gt3A_58 : vector<8x1280xi32>
    %and3A_60 = arith.andi %and3A_42, %gt3A_59 : vector<8x1280xi1>
    %gt3A_61 = vector.broadcast %scan3A_40#0 : i32 to vector<8x1280xi32>
    %gt3A_62 = arith.cmpi sgt, %shift_right_arithmetic3A_31, %gt3A_61 : vector<8x1280xi32>
    %and3A_63 = arith.andi %broadcast_in_dim3A_29, %gt3A_62 : vector<8x1280xi1>
    %or3A = arith.ori %broadcast_in_dim3A_27, %and3A_63 : vector<8x1280xi1>
    %or3A_64 = arith.ori %or3A, %and3A_60 : vector<8x1280xi1>
    %convert_element_type3A_65 = arith.extui %and3A_60 : vector<8x1280xi1> to vector<8x1280xi32>
    %reduce_sum3A_66 = vector.shape_cast %convert_element_type3A_65 : vector<8x1280xi32> to vector<1x8x1280xi32>
    %reduce_sum3A_67 = arith.constant dense<0> : vector<1xi32>
    %reduce_sum3A_68 = vector.multi_reduction <add>, %reduce_sum3A_66, %reduce_sum3A_67 [1, 2] : vector<1x8x1280xi32> to vector<1xi32>
    %reduce_sum3A_69 = vector.shape_cast %reduce_sum3A_68 : vector<1xi32> to vector<1x1x1xi32>
    %reduce_sum3A_70 = vector.extract %reduce_sum3A_69[0, 0, 0] : i32 from vector<1x1x1xi32>
    %sub3A_71 = arith.subi %sub3A_50, %reduce_sum3A_70 : i32
    %eq3A_72 = vector.broadcast %scan3A_57#0 : i32 to vector<8x1280xi32>
    %eq3A_73 = arith.cmpi eq, %and3A_33, %eq3A_72 : vector<8x1280xi32>
    %and3A_74 = arith.andi %and3A_42, %eq3A_73 : vector<8x1280xi1>
    %shift_right_arithmetic3A_75 = arith.constant 16 : i32
    %shift_right_arithmetic3A_76 = vector.broadcast %shift_right_arithmetic3A_75 : i32 to vector<8x1280xi32>
    %shift_right_arithmetic3A_77 = arith.shrsi %select_n3A_22, %shift_right_arithmetic3A_76 : vector<8x1280xi32>
    %and3A_78 = arith.constant 65535 : i32
    %and3A_79 = vector.broadcast %and3A_78 : i32 to vector<8x1280xi32>
    %and3A_80 = arith.andi %select_n3A_22, %and3A_79 : vector<8x1280xi32>
    %scan3A_81 = arith.constant -32768 : i32
    %scan3A_82 = arith.constant 32768 : i32
    %scan3A_83 = arith.constant 0 : i32
    %scan3A_84 = arith.constant 17 : i32
    %scan3A_85 = arith.addi %scan3A_83, %scan3A_84 : i32
    %scan3A_86 = arith.constant 1 : i32
    %scan3A_87:2 = scf.for %scan3A_149 = %scan3A_83 to %scan3A_85 step %scan3A_86 iter_args(%scan3A_150 = %scan3A_81, %scan3A_151 = %scan3A_82) -> (i32, i32)  : i32 {
      %add3A_152 = arith.addi %scan3A_150, %scan3A_151 : i32
      %shift_right_arithmetic3A_153 = arith.constant 1 : i32
      %shift_right_arithmetic3A_154 = arith.shrsi %add3A_152, %shift_right_arithmetic3A_153 : i32
      %ge3A_155 = vector.broadcast %shift_right_arithmetic3A_154 : i32 to vector<8x1280xi32>
      %ge3A_156 = arith.cmpi sge, %shift_right_arithmetic3A_77, %ge3A_155 : vector<8x1280xi32>
      %and3A_157 = arith.andi %and3A_74, %ge3A_156 : vector<8x1280xi1>
      %convert_element_type3A_158 = arith.extui %and3A_157 : vector<8x1280xi1> to vector<8x1280xi32>
      %reduce_sum3A_159 = vector.shape_cast %convert_element_type3A_158 : vector<8x1280xi32> to vector<1x8x1280xi32>
      %reduce_sum3A_160 = arith.constant dense<0> : vector<1xi32>
      %reduce_sum3A_161 = vector.multi_reduction <add>, %reduce_sum3A_159, %reduce_sum3A_160 [1, 2] : vector<1x8x1280xi32> to vector<1xi32>
      %reduce_sum3A_162 = vector.shape_cast %reduce_sum3A_161 : vector<1xi32> to vector<1x1x1xi32>
      %reduce_sum3A_163 = vector.extract %reduce_sum3A_162[0, 0, 0] : i32 from vector<1x1x1xi32>
      %ge3A_164 = arith.cmpi sge, %reduce_sum3A_163, %sub3A_71 : i32
      %select_n3A_165 = arith.select %ge3A_164, %shift_right_arithmetic3A_154, %scan3A_150 : i32
      %select_n3A_166 = arith.select %ge3A_164, %scan3A_151, %shift_right_arithmetic3A_154 : i32
      scf.yield %select_n3A_165, %select_n3A_166 : i32, i32
    }
    %eq3A_88 = vector.broadcast %scan3A_87#0 : i32 to vector<8x1280xi32>
    %eq3A_89 = arith.cmpi eq, %shift_right_arithmetic3A_77, %eq3A_88 : vector<8x1280xi32>
    %and3A_90 = arith.andi %and3A_74, %eq3A_89 : vector<8x1280xi1>
    %gt3A_91 = vector.broadcast %scan3A_87#0 : i32 to vector<8x1280xi32>
    %gt3A_92 = arith.cmpi sgt, %shift_right_arithmetic3A_77, %gt3A_91 : vector<8x1280xi32>
    %and3A_93 = arith.andi %and3A_74, %gt3A_92 : vector<8x1280xi1>
    %convert_element_type3A_94 = arith.extui %and3A_93 : vector<8x1280xi1> to vector<8x1280xi32>
    %reduce_sum3A_95 = vector.shape_cast %convert_element_type3A_94 : vector<8x1280xi32> to vector<1x8x1280xi32>
    %reduce_sum3A_96 = arith.constant dense<0> : vector<1xi32>
    %reduce_sum3A_97 = vector.multi_reduction <add>, %reduce_sum3A_95, %reduce_sum3A_96 [1, 2] : vector<1x8x1280xi32> to vector<1xi32>
    %reduce_sum3A_98 = vector.shape_cast %reduce_sum3A_97 : vector<1xi32> to vector<1x1x1xi32>
    %reduce_sum3A_99 = vector.extract %reduce_sum3A_98[0, 0, 0] : i32 from vector<1x1x1xi32>
    %sub3A_100 = arith.subi %sub3A_71, %reduce_sum3A_99 : i32
    %scan3A_101 = arith.constant 0 : i32
    %scan3A_102 = arith.constant 65536 : i32
    %scan3A_103 = arith.constant 0 : i32
    %scan3A_104 = arith.constant 17 : i32
    %scan3A_105 = arith.addi %scan3A_103, %scan3A_104 : i32
    %scan3A_106 = arith.constant 1 : i32
    %scan3A_107:2 = scf.for %scan3A_149 = %scan3A_103 to %scan3A_105 step %scan3A_106 iter_args(%scan3A_150 = %scan3A_101, %scan3A_151 = %scan3A_102) -> (i32, i32)  : i32 {
      %add3A_152 = arith.addi %scan3A_150, %scan3A_151 : i32
      %shift_right_arithmetic3A_153 = arith.constant 1 : i32
      %shift_right_arithmetic3A_154 = arith.shrsi %add3A_152, %shift_right_arithmetic3A_153 : i32
      %ge3A_155 = vector.broadcast %shift_right_arithmetic3A_154 : i32 to vector<8x1280xi32>
      %ge3A_156 = arith.cmpi sge, %and3A_80, %ge3A_155 : vector<8x1280xi32>
      %and3A_157 = arith.andi %and3A_90, %ge3A_156 : vector<8x1280xi1>
      %convert_element_type3A_158 = arith.extui %and3A_157 : vector<8x1280xi1> to vector<8x1280xi32>
      %reduce_sum3A_159 = vector.shape_cast %convert_element_type3A_158 : vector<8x1280xi32> to vector<1x8x1280xi32>
      %reduce_sum3A_160 = arith.constant dense<0> : vector<1xi32>
      %reduce_sum3A_161 = vector.multi_reduction <add>, %reduce_sum3A_159, %reduce_sum3A_160 [1, 2] : vector<1x8x1280xi32> to vector<1xi32>
      %reduce_sum3A_162 = vector.shape_cast %reduce_sum3A_161 : vector<1xi32> to vector<1x1x1xi32>
      %reduce_sum3A_163 = vector.extract %reduce_sum3A_162[0, 0, 0] : i32 from vector<1x1x1xi32>
      %ge3A_164 = arith.cmpi sge, %reduce_sum3A_163, %sub3A_100 : i32
      %select_n3A_165 = arith.select %ge3A_164, %shift_right_arithmetic3A_154, %scan3A_150 : i32
      %select_n3A_166 = arith.select %ge3A_164, %scan3A_151, %shift_right_arithmetic3A_154 : i32
      scf.yield %select_n3A_165, %select_n3A_166 : i32, i32
    }
    %gt3A_108 = vector.broadcast %scan3A_107#0 : i32 to vector<8x1280xi32>
    %gt3A_109 = arith.cmpi sgt, %and3A_80, %gt3A_108 : vector<8x1280xi32>
    %and3A_110 = arith.andi %and3A_90, %gt3A_109 : vector<8x1280xi1>
    %gt3A_111 = vector.broadcast %scan3A_87#0 : i32 to vector<8x1280xi32>
    %gt3A_112 = arith.cmpi sgt, %shift_right_arithmetic3A_77, %gt3A_111 : vector<8x1280xi32>
    %and3A_113 = arith.andi %and3A_74, %gt3A_112 : vector<8x1280xi1>
    %or3A_114 = arith.ori %or3A_64, %and3A_113 : vector<8x1280xi1>
    %or3A_115 = arith.ori %or3A_114, %and3A_110 : vector<8x1280xi1>
    %convert_element_type3A_116 = arith.extui %and3A_110 : vector<8x1280xi1> to vector<8x1280xi32>
    %reduce_sum3A_117 = vector.shape_cast %convert_element_type3A_116 : vector<8x1280xi32> to vector<1x8x1280xi32>
    %reduce_sum3A_118 = arith.constant dense<0> : vector<1xi32>
    %reduce_sum3A_119 = vector.multi_reduction <add>, %reduce_sum3A_117, %reduce_sum3A_118 [1, 2] : vector<1x8x1280xi32> to vector<1xi32>
    %reduce_sum3A_120 = vector.shape_cast %reduce_sum3A_119 : vector<1xi32> to vector<1x1x1xi32>
    %reduce_sum3A_121 = vector.extract %reduce_sum3A_120[0, 0, 0] : i32 from vector<1x1x1xi32>
    %sub3A_122 = arith.subi %sub3A_100, %reduce_sum3A_121 : i32
    %eq3A_123 = vector.broadcast %scan3A_107#0 : i32 to vector<8x1280xi32>
    %eq3A_124 = arith.cmpi eq, %and3A_80, %eq3A_123 : vector<8x1280xi32>
    %and3A_125 = arith.andi %and3A_90, %eq3A_124 : vector<8x1280xi1>
    %scan3A_126 = arith.constant 0 : i32
    %scan3A_127 = arith.constant 10240 : i32
    %scan3A_128 = arith.constant 0 : i32
    %scan3A_129 = arith.constant 14 : i32
    %scan3A_130 = arith.addi %scan3A_128, %scan3A_129 : i32
    %scan3A_131 = arith.constant 1 : i32
    %scan3A_132:2 = scf.for %scan3A_149 = %scan3A_128 to %scan3A_130 step %scan3A_131 iter_args(%scan3A_150 = %scan3A_126, %scan3A_151 = %scan3A_127) -> (i32, i32)  : i32 {
      %add3A_152 = arith.addi %scan3A_150, %scan3A_151 : i32
      %shift_right_arithmetic3A_153 = arith.constant 1 : i32
      %shift_right_arithmetic3A_154 = arith.shrsi %add3A_152, %shift_right_arithmetic3A_153 : i32
      %lt3A_155 = vector.broadcast %shift_right_arithmetic3A_154 : i32 to vector<8x1280xi32>
      %lt3A_156 = arith.cmpi slt, %add3A, %lt3A_155 : vector<8x1280xi32>
      %and3A_157 = arith.andi %and3A_125, %lt3A_156 : vector<8x1280xi1>
      %convert_element_type3A_158 = arith.extui %and3A_157 : vector<8x1280xi1> to vector<8x1280xi32>
      %reduce_sum3A_159 = vector.shape_cast %convert_element_type3A_158 : vector<8x1280xi32> to vector<1x8x1280xi32>
      %reduce_sum3A_160 = arith.constant dense<0> : vector<1xi32>
      %reduce_sum3A_161 = vector.multi_reduction <add>, %reduce_sum3A_159, %reduce_sum3A_160 [1, 2] : vector<1x8x1280xi32> to vector<1xi32>
      %reduce_sum3A_162 = vector.shape_cast %reduce_sum3A_161 : vector<1xi32> to vector<1x1x1xi32>
      %reduce_sum3A_163 = vector.extract %reduce_sum3A_162[0, 0, 0] : i32 from vector<1x1x1xi32>
      %ge3A_164 = arith.cmpi sge, %reduce_sum3A_163, %sub3A_122 : i32
      %select_n3A_165 = arith.select %ge3A_164, %scan3A_150, %shift_right_arithmetic3A_154 : i32
      %select_n3A_166 = arith.select %ge3A_164, %shift_right_arithmetic3A_154, %scan3A_151 : i32
      scf.yield %select_n3A_165, %select_n3A_166 : i32, i32
    }
    %lt3A = vector.broadcast %scan3A_132#1 : i32 to vector<8x1280xi32>
    %lt3A_133 = arith.cmpi slt, %add3A, %lt3A : vector<8x1280xi32>
    %and3A_134 = arith.andi %and3A_125, %lt3A_133 : vector<8x1280xi1>
    %or3A_135 = arith.ori %or3A_115, %and3A_134 : vector<8x1280xi1>
    %convert_element_type3A_136 = arith.extui %or3A_135 : vector<8x1280xi1> to vector<8x1280xi32>
    %convert_element_type3A_137 = arith.sitofp %convert_element_type3A_136 : vector<8x1280xi32> to vector<8x1280xf32>
    %swap3A = arith.constant 0 : index
    %swap3A_138 = arith.constant 0 : index
    %swap3A_139 = vector.load %arg3[%swap3A, %swap3A_138] : memref<8x1280xf32, #tpu.memory_space<vmem>>, vector<8x1280xf32>
    tpu.vector_store %arg3[%swap3A, %swap3A_138], %convert_element_type3A_137 {strides = array<i32>} : memref<8x1280xf32, #tpu.memory_space<vmem>>, vector<8x1280xf32>,
    %jit3A_140 = arith.constant 0.000000e+00 : f32
    %broadcast_in_dim3A_141 = vector.broadcast %jit3A_140 : f32 to vector<8x1280xf32>
    %select_n3A_142 = arith.select %or3A_135, %tanh3A, %broadcast_in_dim3A_141 : vector<8x1280xi1>, vector<8x1280xf32>
    %swap3A_143 = arith.constant 0 : index
    %swap3A_144 = arith.constant 0 : index
    %swap3A_145 = vector.load %arg4[%swap3A_143, %swap3A_144] : memref<8x1280xf32, #tpu.memory_space<vmem>>, vector<8x1280xf32>
    tpu.vector_store %arg4[%swap3A_143, %swap3A_144], %select_n3A_142 {strides = array<i32>} : memref<8x1280xf32, #tpu.memory_space<vmem>>, vector<8x1280xf32>,
    %swap3A_146 = arith.constant 0 : index
    %swap3A_147 = arith.constant 0 : index
    %swap3A_148 = vector.load %arg5[%swap3A_146, %swap3A_147] : memref<8x1280xf32, #tpu.memory_space<vmem>>, vector<8x1280xf32>
    tpu.vector_store %arg5[%swap3A_146, %swap3A_147], %tanh3A {strides = array<i32>} : memref<8x1280xf32, #tpu.memory_space<vmem>>, vector<8x1280xf32>,
    return
  }
}

module attributes {stable_mosaic.version = 14 : i64} {
  func.func @_select_body(%arg0: memref<8x1280xf32, #tpu.memory_space<vmem>>, %arg1: memref<8x1280xf32, #tpu.memory_space<vmem>>, %arg2: memref<8x1280xf32, #tpu.memory_space<vmem>>, %arg3: memref<8x1280xf32, #tpu.memory_space<vmem>>, %arg4: memref<8x1280xf32, #tpu.memory_space<vmem>>, %arg5: memref<8x1280xf32, #tpu.memory_space<vmem>>, %arg6: memref<8x1280xf32, #tpu.memory_space<vmem>>) attributes {dimension_semantics = [], scalar_prefetch = 0 : i64, scratch_operands = 0 : i64, tpu.core_type = #tpu.core_type<tc>} {
    %get3A = arith.constant 0 : index
    %get3A_0 = arith.constant 0 : index
    %get3A_1 = vector.load %arg1[%get3A, %get3A_0] : memref<8x1280xf32, #tpu.memory_space<vmem>>, vector<8x1280xf32>
    %get3A_2 = arith.constant 0 : index
    %get3A_3 = arith.constant 0 : index
    %get3A_4 = vector.load %arg0[%get3A_2, %get3A_3] : memref<8x1280xf32, #tpu.memory_space<vmem>>, vector<8x1280xf32>
    %tanh3A = math.tanh %get3A_4 : vector<8x1280xf32>
    %gt3A = arith.constant 0.000000e+00 : f32
    %gt3A_5 = vector.broadcast %gt3A : f32 to vector<8x1280xf32>
    %gt3A_6 = arith.cmpf ogt, %get3A_1, %gt3A_5 : vector<8x1280xf32>
    %jit3A = arith.constant 0xFF800000 : f32
    %broadcast_in_dim3A = vector.broadcast %jit3A : f32 to vector<8x1280xf32>
    %select_n3A = arith.select %gt3A_6, %tanh3A, %broadcast_in_dim3A : vector<8x1280xi1>, vector<8x1280xf32>
    %bitcast_convert_type3A = tpu.bitcast %select_n3A : vector<8x1280xf32> -> vector<8x1280xi32>
    %ge3A = arith.constant 0 : i32
    %ge3A_7 = vector.broadcast %ge3A : i32 to vector<8x1280xi32>
    %ge3A_8 = arith.cmpi sge, %bitcast_convert_type3A, %ge3A_7 : vector<8x1280xi32>
    %xor3A = arith.constant 2147483647 : i32
    %xor3A_9 = vector.broadcast %xor3A : i32 to vector<8x1280xi32>
    %xor3A_10 = arith.xori %bitcast_convert_type3A, %xor3A_9 : vector<8x1280xi32>
    %select_n3A_11 = arith.select %ge3A_8, %bitcast_convert_type3A, %xor3A_10 : vector<8x1280xi1>, vector<8x1280xi32>
    %get3A_12 = arith.constant 0 : index
    %get3A_13 = arith.constant 0 : index
    %get3A_14 = vector.load %arg2[%get3A_12, %get3A_13] : memref<8x1280xf32, #tpu.memory_space<vmem>>, vector<8x1280xf32>
    %bitcast_convert_type3A_15 = tpu.bitcast %get3A_14 : vector<8x1280xf32> -> vector<8x1280xi32>
    %ge3A_16 = arith.constant 0 : i32
    %ge3A_17 = vector.broadcast %ge3A_16 : i32 to vector<8x1280xi32>
    %ge3A_18 = arith.cmpi sge, %bitcast_convert_type3A_15, %ge3A_17 : vector<8x1280xi32>
    %xor3A_19 = arith.constant 2147483647 : i32
    %xor3A_20 = vector.broadcast %xor3A_19 : i32 to vector<8x1280xi32>
    %xor3A_21 = arith.xori %bitcast_convert_type3A_15, %xor3A_20 : vector<8x1280xi32>
    %select_n3A_22 = arith.select %ge3A_18, %bitcast_convert_type3A_15, %xor3A_21 : vector<8x1280xi1>, vector<8x1280xi32>
    %get3A_23 = arith.constant 0 : index
    %get3A_24 = arith.constant 0 : index
    %get3A_25 = vector.load %arg3[%get3A_23, %get3A_24] : memref<8x1280xf32, #tpu.memory_space<vmem>>, vector<8x1280xf32>
    %bitcast_convert_type3A_26 = tpu.bitcast %get3A_25 : vector<8x1280xf32> -> vector<8x1280xi32>
    %ge3A_27 = arith.constant 0 : i32
    %ge3A_28 = vector.broadcast %ge3A_27 : i32 to vector<8x1280xi32>
    %ge3A_29 = arith.cmpi sge, %bitcast_convert_type3A_26, %ge3A_28 : vector<8x1280xi32>
    %xor3A_30 = arith.constant 2147483647 : i32
    %xor3A_31 = vector.broadcast %xor3A_30 : i32 to vector<8x1280xi32>
    %xor3A_32 = arith.xori %bitcast_convert_type3A_26, %xor3A_31 : vector<8x1280xi32>
    %select_n3A_33 = arith.select %ge3A_29, %bitcast_convert_type3A_26, %xor3A_32 : vector<8x1280xi1>, vector<8x1280xi32>
    %iota3A = tpu.iota {dimensions = array<i32: 0>} : vector<8x1280xi32>
    %mul3A = arith.constant 1280 : i32
    %mul3A_34 = vector.broadcast %mul3A : i32 to vector<8x1280xi32>
    %mul3A_35 = arith.muli %iota3A, %mul3A_34 : vector<8x1280xi32>
    %iota3A_36 = tpu.iota {dimensions = array<i32: 1>} : vector<8x1280xi32>
    %add3A = arith.addi %mul3A_35, %iota3A_36 : vector<8x1280xi32>
    %broadcast_in_dim3A_37 = arith.constant false
    %broadcast_in_dim3A_38 = vector.broadcast %broadcast_in_dim3A_37 : i1 to vector<8x1280xi1>
    %broadcast_in_dim3A_39 = arith.constant true
    %broadcast_in_dim3A_40 = vector.broadcast %broadcast_in_dim3A_39 : i1 to vector<8x1280xi1>
    %shift_right_arithmetic3A = arith.constant 16 : i32
    %shift_right_arithmetic3A_41 = vector.broadcast %shift_right_arithmetic3A : i32 to vector<8x1280xi32>
    %shift_right_arithmetic3A_42 = arith.shrsi %select_n3A_11, %shift_right_arithmetic3A_41 : vector<8x1280xi32>
    %and3A = arith.constant 65535 : i32
    %and3A_43 = vector.broadcast %and3A : i32 to vector<8x1280xi32>
    %and3A_44 = arith.andi %select_n3A_11, %and3A_43 : vector<8x1280xi32>
    %scan3A = arith.constant 5120 : i32
    %scan3A_45 = arith.constant -32768 : i32
    %scan3A_46 = arith.constant 32768 : i32
    %scan3A_47 = arith.constant 0 : i32
    %scan3A_48 = arith.constant 17 : i32
    %scan3A_49 = arith.addi %scan3A_47, %scan3A_48 : i32
    %scan3A_50 = arith.constant 1 : i32
    %scan3A_51:2 = scf.for %scan3A_211 = %scan3A_47 to %scan3A_49 step %scan3A_50 iter_args(%scan3A_212 = %scan3A_45, %scan3A_213 = %scan3A_46) -> (i32, i32)  : i32 {
      %add3A_214 = arith.addi %scan3A_212, %scan3A_213 : i32
      %shift_right_arithmetic3A_215 = arith.constant 1 : i32
      %shift_right_arithmetic3A_216 = arith.shrsi %add3A_214, %shift_right_arithmetic3A_215 : i32
      %ge3A_217 = vector.broadcast %shift_right_arithmetic3A_216 : i32 to vector<8x1280xi32>
      %ge3A_218 = arith.cmpi sge, %shift_right_arithmetic3A_42, %ge3A_217 : vector<8x1280xi32>
      %and3A_219 = arith.andi %broadcast_in_dim3A_40, %ge3A_218 : vector<8x1280xi1>
      %convert_element_type3A_220 = arith.extui %and3A_219 : vector<8x1280xi1> to vector<8x1280xi32>
      %reduce_sum3A_221 = vector.shape_cast %convert_element_type3A_220 : vector<8x1280xi32> to vector<1x8x1280xi32>
      %reduce_sum3A_222 = arith.constant dense<0> : vector<1xi32>
      %reduce_sum3A_223 = vector.multi_reduction <add>, %reduce_sum3A_221, %reduce_sum3A_222 [1, 2] : vector<1x8x1280xi32> to vector<1xi32>
      %reduce_sum3A_224 = vector.shape_cast %reduce_sum3A_223 : vector<1xi32> to vector<1x1x1xi32>
      %reduce_sum3A_225 = vector.extract %reduce_sum3A_224[0, 0, 0] : i32 from vector<1x1x1xi32>
      %ge3A_226 = arith.cmpi sge, %reduce_sum3A_225, %scan3A : i32
      %select_n3A_227 = arith.select %ge3A_226, %shift_right_arithmetic3A_216, %scan3A_212 : i32
      %select_n3A_228 = arith.select %ge3A_226, %scan3A_213, %shift_right_arithmetic3A_216 : i32
      scf.yield %select_n3A_227, %select_n3A_228 : i32, i32
    }
    %eq3A = vector.broadcast %scan3A_51#0 : i32 to vector<8x1280xi32>
    %eq3A_52 = arith.cmpi eq, %shift_right_arithmetic3A_42, %eq3A : vector<8x1280xi32>
    %and3A_53 = arith.andi %broadcast_in_dim3A_40, %eq3A_52 : vector<8x1280xi1>
    %gt3A_54 = vector.broadcast %scan3A_51#0 : i32 to vector<8x1280xi32>
    %gt3A_55 = arith.cmpi sgt, %shift_right_arithmetic3A_42, %gt3A_54 : vector<8x1280xi32>
    %and3A_56 = arith.andi %broadcast_in_dim3A_40, %gt3A_55 : vector<8x1280xi1>
    %convert_element_type3A = arith.extui %and3A_56 : vector<8x1280xi1> to vector<8x1280xi32>
    %reduce_sum3A = vector.shape_cast %convert_element_type3A : vector<8x1280xi32> to vector<1x8x1280xi32>
    %reduce_sum3A_57 = arith.constant dense<0> : vector<1xi32>
    %reduce_sum3A_58 = vector.multi_reduction <add>, %reduce_sum3A, %reduce_sum3A_57 [1, 2] : vector<1x8x1280xi32> to vector<1xi32>
    %reduce_sum3A_59 = vector.shape_cast %reduce_sum3A_58 : vector<1xi32> to vector<1x1x1xi32>
    %reduce_sum3A_60 = vector.extract %reduce_sum3A_59[0, 0, 0] : i32 from vector<1x1x1xi32>
    %sub3A = arith.constant 5120 : i32
    %sub3A_61 = arith.subi %sub3A, %reduce_sum3A_60 : i32
    %scan3A_62 = arith.constant 0 : i32
    %scan3A_63 = arith.constant 65536 : i32
    %scan3A_64 = arith.constant 0 : i32
    %scan3A_65 = arith.constant 17 : i32
    %scan3A_66 = arith.addi %scan3A_64, %scan3A_65 : i32
    %scan3A_67 = arith.constant 1 : i32
    %scan3A_68:2 = scf.for %scan3A_211 = %scan3A_64 to %scan3A_66 step %scan3A_67 iter_args(%scan3A_212 = %scan3A_62, %scan3A_213 = %scan3A_63) -> (i32, i32)  : i32 {
      %add3A_214 = arith.addi %scan3A_212, %scan3A_213 : i32
      %shift_right_arithmetic3A_215 = arith.constant 1 : i32
      %shift_right_arithmetic3A_216 = arith.shrsi %add3A_214, %shift_right_arithmetic3A_215 : i32
      %ge3A_217 = vector.broadcast %shift_right_arithmetic3A_216 : i32 to vector<8x1280xi32>
      %ge3A_218 = arith.cmpi sge, %and3A_44, %ge3A_217 : vector<8x1280xi32>
      %and3A_219 = arith.andi %and3A_53, %ge3A_218 : vector<8x1280xi1>
      %convert_element_type3A_220 = arith.extui %and3A_219 : vector<8x1280xi1> to vector<8x1280xi32>
      %reduce_sum3A_221 = vector.shape_cast %convert_element_type3A_220 : vector<8x1280xi32> to vector<1x8x1280xi32>
      %reduce_sum3A_222 = arith.constant dense<0> : vector<1xi32>
      %reduce_sum3A_223 = vector.multi_reduction <add>, %reduce_sum3A_221, %reduce_sum3A_222 [1, 2] : vector<1x8x1280xi32> to vector<1xi32>
      %reduce_sum3A_224 = vector.shape_cast %reduce_sum3A_223 : vector<1xi32> to vector<1x1x1xi32>
      %reduce_sum3A_225 = vector.extract %reduce_sum3A_224[0, 0, 0] : i32 from vector<1x1x1xi32>
      %ge3A_226 = arith.cmpi sge, %reduce_sum3A_225, %sub3A_61 : i32
      %select_n3A_227 = arith.select %ge3A_226, %shift_right_arithmetic3A_216, %scan3A_212 : i32
      %select_n3A_228 = arith.select %ge3A_226, %scan3A_213, %shift_right_arithmetic3A_216 : i32
      scf.yield %select_n3A_227, %select_n3A_228 : i32, i32
    }
    %gt3A_69 = vector.broadcast %scan3A_68#0 : i32 to vector<8x1280xi32>
    %gt3A_70 = arith.cmpi sgt, %and3A_44, %gt3A_69 : vector<8x1280xi32>
    %and3A_71 = arith.andi %and3A_53, %gt3A_70 : vector<8x1280xi1>
    %gt3A_72 = vector.broadcast %scan3A_51#0 : i32 to vector<8x1280xi32>
    %gt3A_73 = arith.cmpi sgt, %shift_right_arithmetic3A_42, %gt3A_72 : vector<8x1280xi32>
    %and3A_74 = arith.andi %broadcast_in_dim3A_40, %gt3A_73 : vector<8x1280xi1>
    %or3A = arith.ori %broadcast_in_dim3A_38, %and3A_74 : vector<8x1280xi1>
    %or3A_75 = arith.ori %or3A, %and3A_71 : vector<8x1280xi1>
    %convert_element_type3A_76 = arith.extui %and3A_71 : vector<8x1280xi1> to vector<8x1280xi32>
    %reduce_sum3A_77 = vector.shape_cast %convert_element_type3A_76 : vector<8x1280xi32> to vector<1x8x1280xi32>
    %reduce_sum3A_78 = arith.constant dense<0> : vector<1xi32>
    %reduce_sum3A_79 = vector.multi_reduction <add>, %reduce_sum3A_77, %reduce_sum3A_78 [1, 2] : vector<1x8x1280xi32> to vector<1xi32>
    %reduce_sum3A_80 = vector.shape_cast %reduce_sum3A_79 : vector<1xi32> to vector<1x1x1xi32>
    %reduce_sum3A_81 = vector.extract %reduce_sum3A_80[0, 0, 0] : i32 from vector<1x1x1xi32>
    %sub3A_82 = arith.subi %sub3A_61, %reduce_sum3A_81 : i32
    %eq3A_83 = vector.broadcast %scan3A_68#0 : i32 to vector<8x1280xi32>
    %eq3A_84 = arith.cmpi eq, %and3A_44, %eq3A_83 : vector<8x1280xi32>
    %and3A_85 = arith.andi %and3A_53, %eq3A_84 : vector<8x1280xi1>
    %shift_right_arithmetic3A_86 = arith.constant 16 : i32
    %shift_right_arithmetic3A_87 = vector.broadcast %shift_right_arithmetic3A_86 : i32 to vector<8x1280xi32>
    %shift_right_arithmetic3A_88 = arith.shrsi %select_n3A_22, %shift_right_arithmetic3A_87 : vector<8x1280xi32>
    %and3A_89 = arith.constant 65535 : i32
    %and3A_90 = vector.broadcast %and3A_89 : i32 to vector<8x1280xi32>
    %and3A_91 = arith.andi %select_n3A_22, %and3A_90 : vector<8x1280xi32>
    %scan3A_92 = arith.constant -32768 : i32
    %scan3A_93 = arith.constant 32768 : i32
    %scan3A_94 = arith.constant 0 : i32
    %scan3A_95 = arith.constant 17 : i32
    %scan3A_96 = arith.addi %scan3A_94, %scan3A_95 : i32
    %scan3A_97 = arith.constant 1 : i32
    %scan3A_98:2 = scf.for %scan3A_211 = %scan3A_94 to %scan3A_96 step %scan3A_97 iter_args(%scan3A_212 = %scan3A_92, %scan3A_213 = %scan3A_93) -> (i32, i32)  : i32 {
      %add3A_214 = arith.addi %scan3A_212, %scan3A_213 : i32
      %shift_right_arithmetic3A_215 = arith.constant 1 : i32
      %shift_right_arithmetic3A_216 = arith.shrsi %add3A_214, %shift_right_arithmetic3A_215 : i32
      %ge3A_217 = vector.broadcast %shift_right_arithmetic3A_216 : i32 to vector<8x1280xi32>
      %ge3A_218 = arith.cmpi sge, %shift_right_arithmetic3A_88, %ge3A_217 : vector<8x1280xi32>
      %and3A_219 = arith.andi %and3A_85, %ge3A_218 : vector<8x1280xi1>
      %convert_element_type3A_220 = arith.extui %and3A_219 : vector<8x1280xi1> to vector<8x1280xi32>
      %reduce_sum3A_221 = vector.shape_cast %convert_element_type3A_220 : vector<8x1280xi32> to vector<1x8x1280xi32>
      %reduce_sum3A_222 = arith.constant dense<0> : vector<1xi32>
      %reduce_sum3A_223 = vector.multi_reduction <add>, %reduce_sum3A_221, %reduce_sum3A_222 [1, 2] : vector<1x8x1280xi32> to vector<1xi32>
      %reduce_sum3A_224 = vector.shape_cast %reduce_sum3A_223 : vector<1xi32> to vector<1x1x1xi32>
      %reduce_sum3A_225 = vector.extract %reduce_sum3A_224[0, 0, 0] : i32 from vector<1x1x1xi32>
      %ge3A_226 = arith.cmpi sge, %reduce_sum3A_225, %sub3A_82 : i32
      %select_n3A_227 = arith.select %ge3A_226, %shift_right_arithmetic3A_216, %scan3A_212 : i32
      %select_n3A_228 = arith.select %ge3A_226, %scan3A_213, %shift_right_arithmetic3A_216 : i32
      scf.yield %select_n3A_227, %select_n3A_228 : i32, i32
    }
    %eq3A_99 = vector.broadcast %scan3A_98#0 : i32 to vector<8x1280xi32>
    %eq3A_100 = arith.cmpi eq, %shift_right_arithmetic3A_88, %eq3A_99 : vector<8x1280xi32>
    %and3A_101 = arith.andi %and3A_85, %eq3A_100 : vector<8x1280xi1>
    %gt3A_102 = vector.broadcast %scan3A_98#0 : i32 to vector<8x1280xi32>
    %gt3A_103 = arith.cmpi sgt, %shift_right_arithmetic3A_88, %gt3A_102 : vector<8x1280xi32>
    %and3A_104 = arith.andi %and3A_85, %gt3A_103 : vector<8x1280xi1>
    %convert_element_type3A_105 = arith.extui %and3A_104 : vector<8x1280xi1> to vector<8x1280xi32>
    %reduce_sum3A_106 = vector.shape_cast %convert_element_type3A_105 : vector<8x1280xi32> to vector<1x8x1280xi32>
    %reduce_sum3A_107 = arith.constant dense<0> : vector<1xi32>
    %reduce_sum3A_108 = vector.multi_reduction <add>, %reduce_sum3A_106, %reduce_sum3A_107 [1, 2] : vector<1x8x1280xi32> to vector<1xi32>
    %reduce_sum3A_109 = vector.shape_cast %reduce_sum3A_108 : vector<1xi32> to vector<1x1x1xi32>
    %reduce_sum3A_110 = vector.extract %reduce_sum3A_109[0, 0, 0] : i32 from vector<1x1x1xi32>
    %sub3A_111 = arith.subi %sub3A_82, %reduce_sum3A_110 : i32
    %scan3A_112 = arith.constant 0 : i32
    %scan3A_113 = arith.constant 65536 : i32
    %scan3A_114 = arith.constant 0 : i32
    %scan3A_115 = arith.constant 17 : i32
    %scan3A_116 = arith.addi %scan3A_114, %scan3A_115 : i32
    %scan3A_117 = arith.constant 1 : i32
    %scan3A_118:2 = scf.for %scan3A_211 = %scan3A_114 to %scan3A_116 step %scan3A_117 iter_args(%scan3A_212 = %scan3A_112, %scan3A_213 = %scan3A_113) -> (i32, i32)  : i32 {
      %add3A_214 = arith.addi %scan3A_212, %scan3A_213 : i32
      %shift_right_arithmetic3A_215 = arith.constant 1 : i32
      %shift_right_arithmetic3A_216 = arith.shrsi %add3A_214, %shift_right_arithmetic3A_215 : i32
      %ge3A_217 = vector.broadcast %shift_right_arithmetic3A_216 : i32 to vector<8x1280xi32>
      %ge3A_218 = arith.cmpi sge, %and3A_91, %ge3A_217 : vector<8x1280xi32>
      %and3A_219 = arith.andi %and3A_101, %ge3A_218 : vector<8x1280xi1>
      %convert_element_type3A_220 = arith.extui %and3A_219 : vector<8x1280xi1> to vector<8x1280xi32>
      %reduce_sum3A_221 = vector.shape_cast %convert_element_type3A_220 : vector<8x1280xi32> to vector<1x8x1280xi32>
      %reduce_sum3A_222 = arith.constant dense<0> : vector<1xi32>
      %reduce_sum3A_223 = vector.multi_reduction <add>, %reduce_sum3A_221, %reduce_sum3A_222 [1, 2] : vector<1x8x1280xi32> to vector<1xi32>
      %reduce_sum3A_224 = vector.shape_cast %reduce_sum3A_223 : vector<1xi32> to vector<1x1x1xi32>
      %reduce_sum3A_225 = vector.extract %reduce_sum3A_224[0, 0, 0] : i32 from vector<1x1x1xi32>
      %ge3A_226 = arith.cmpi sge, %reduce_sum3A_225, %sub3A_111 : i32
      %select_n3A_227 = arith.select %ge3A_226, %shift_right_arithmetic3A_216, %scan3A_212 : i32
      %select_n3A_228 = arith.select %ge3A_226, %scan3A_213, %shift_right_arithmetic3A_216 : i32
      scf.yield %select_n3A_227, %select_n3A_228 : i32, i32
    }
    %gt3A_119 = vector.broadcast %scan3A_118#0 : i32 to vector<8x1280xi32>
    %gt3A_120 = arith.cmpi sgt, %and3A_91, %gt3A_119 : vector<8x1280xi32>
    %and3A_121 = arith.andi %and3A_101, %gt3A_120 : vector<8x1280xi1>
    %gt3A_122 = vector.broadcast %scan3A_98#0 : i32 to vector<8x1280xi32>
    %gt3A_123 = arith.cmpi sgt, %shift_right_arithmetic3A_88, %gt3A_122 : vector<8x1280xi32>
    %and3A_124 = arith.andi %and3A_85, %gt3A_123 : vector<8x1280xi1>
    %or3A_125 = arith.ori %or3A_75, %and3A_124 : vector<8x1280xi1>
    %or3A_126 = arith.ori %or3A_125, %and3A_121 : vector<8x1280xi1>
    %convert_element_type3A_127 = arith.extui %and3A_121 : vector<8x1280xi1> to vector<8x1280xi32>
    %reduce_sum3A_128 = vector.shape_cast %convert_element_type3A_127 : vector<8x1280xi32> to vector<1x8x1280xi32>
    %reduce_sum3A_129 = arith.constant dense<0> : vector<1xi32>
    %reduce_sum3A_130 = vector.multi_reduction <add>, %reduce_sum3A_128, %reduce_sum3A_129 [1, 2] : vector<1x8x1280xi32> to vector<1xi32>
    %reduce_sum3A_131 = vector.shape_cast %reduce_sum3A_130 : vector<1xi32> to vector<1x1x1xi32>
    %reduce_sum3A_132 = vector.extract %reduce_sum3A_131[0, 0, 0] : i32 from vector<1x1x1xi32>
    %sub3A_133 = arith.subi %sub3A_111, %reduce_sum3A_132 : i32
    %eq3A_134 = vector.broadcast %scan3A_118#0 : i32 to vector<8x1280xi32>
    %eq3A_135 = arith.cmpi eq, %and3A_91, %eq3A_134 : vector<8x1280xi32>
    %and3A_136 = arith.andi %and3A_101, %eq3A_135 : vector<8x1280xi1>
    %shift_right_arithmetic3A_137 = arith.constant 16 : i32
    %shift_right_arithmetic3A_138 = vector.broadcast %shift_right_arithmetic3A_137 : i32 to vector<8x1280xi32>
    %shift_right_arithmetic3A_139 = arith.shrsi %select_n3A_33, %shift_right_arithmetic3A_138 : vector<8x1280xi32>
    %and3A_140 = arith.constant 65535 : i32
    %and3A_141 = vector.broadcast %and3A_140 : i32 to vector<8x1280xi32>
    %and3A_142 = arith.andi %select_n3A_33, %and3A_141 : vector<8x1280xi32>
    %scan3A_143 = arith.constant -32768 : i32
    %scan3A_144 = arith.constant 32768 : i32
    %scan3A_145 = arith.constant 0 : i32
    %scan3A_146 = arith.constant 17 : i32
    %scan3A_147 = arith.addi %scan3A_145, %scan3A_146 : i32
    %scan3A_148 = arith.constant 1 : i32
    %scan3A_149:2 = scf.for %scan3A_211 = %scan3A_145 to %scan3A_147 step %scan3A_148 iter_args(%scan3A_212 = %scan3A_143, %scan3A_213 = %scan3A_144) -> (i32, i32)  : i32 {
      %add3A_214 = arith.addi %scan3A_212, %scan3A_213 : i32
      %shift_right_arithmetic3A_215 = arith.constant 1 : i32
      %shift_right_arithmetic3A_216 = arith.shrsi %add3A_214, %shift_right_arithmetic3A_215 : i32
      %ge3A_217 = vector.broadcast %shift_right_arithmetic3A_216 : i32 to vector<8x1280xi32>
      %ge3A_218 = arith.cmpi sge, %shift_right_arithmetic3A_139, %ge3A_217 : vector<8x1280xi32>
      %and3A_219 = arith.andi %and3A_136, %ge3A_218 : vector<8x1280xi1>
      %convert_element_type3A_220 = arith.extui %and3A_219 : vector<8x1280xi1> to vector<8x1280xi32>
      %reduce_sum3A_221 = vector.shape_cast %convert_element_type3A_220 : vector<8x1280xi32> to vector<1x8x1280xi32>
      %reduce_sum3A_222 = arith.constant dense<0> : vector<1xi32>
      %reduce_sum3A_223 = vector.multi_reduction <add>, %reduce_sum3A_221, %reduce_sum3A_222 [1, 2] : vector<1x8x1280xi32> to vector<1xi32>
      %reduce_sum3A_224 = vector.shape_cast %reduce_sum3A_223 : vector<1xi32> to vector<1x1x1xi32>
      %reduce_sum3A_225 = vector.extract %reduce_sum3A_224[0, 0, 0] : i32 from vector<1x1x1xi32>
      %ge3A_226 = arith.cmpi sge, %reduce_sum3A_225, %sub3A_133 : i32
      %select_n3A_227 = arith.select %ge3A_226, %shift_right_arithmetic3A_216, %scan3A_212 : i32
      %select_n3A_228 = arith.select %ge3A_226, %scan3A_213, %shift_right_arithmetic3A_216 : i32
      scf.yield %select_n3A_227, %select_n3A_228 : i32, i32
    }
    %eq3A_150 = vector.broadcast %scan3A_149#0 : i32 to vector<8x1280xi32>
    %eq3A_151 = arith.cmpi eq, %shift_right_arithmetic3A_139, %eq3A_150 : vector<8x1280xi32>
    %and3A_152 = arith.andi %and3A_136, %eq3A_151 : vector<8x1280xi1>
    %gt3A_153 = vector.broadcast %scan3A_149#0 : i32 to vector<8x1280xi32>
    %gt3A_154 = arith.cmpi sgt, %shift_right_arithmetic3A_139, %gt3A_153 : vector<8x1280xi32>
    %and3A_155 = arith.andi %and3A_136, %gt3A_154 : vector<8x1280xi1>
    %convert_element_type3A_156 = arith.extui %and3A_155 : vector<8x1280xi1> to vector<8x1280xi32>
    %reduce_sum3A_157 = vector.shape_cast %convert_element_type3A_156 : vector<8x1280xi32> to vector<1x8x1280xi32>
    %reduce_sum3A_158 = arith.constant dense<0> : vector<1xi32>
    %reduce_sum3A_159 = vector.multi_reduction <add>, %reduce_sum3A_157, %reduce_sum3A_158 [1, 2] : vector<1x8x1280xi32> to vector<1xi32>
    %reduce_sum3A_160 = vector.shape_cast %reduce_sum3A_159 : vector<1xi32> to vector<1x1x1xi32>
    %reduce_sum3A_161 = vector.extract %reduce_sum3A_160[0, 0, 0] : i32 from vector<1x1x1xi32>
    %sub3A_162 = arith.subi %sub3A_133, %reduce_sum3A_161 : i32
    %scan3A_163 = arith.constant 0 : i32
    %scan3A_164 = arith.constant 65536 : i32
    %scan3A_165 = arith.constant 0 : i32
    %scan3A_166 = arith.constant 17 : i32
    %scan3A_167 = arith.addi %scan3A_165, %scan3A_166 : i32
    %scan3A_168 = arith.constant 1 : i32
    %scan3A_169:2 = scf.for %scan3A_211 = %scan3A_165 to %scan3A_167 step %scan3A_168 iter_args(%scan3A_212 = %scan3A_163, %scan3A_213 = %scan3A_164) -> (i32, i32)  : i32 {
      %add3A_214 = arith.addi %scan3A_212, %scan3A_213 : i32
      %shift_right_arithmetic3A_215 = arith.constant 1 : i32
      %shift_right_arithmetic3A_216 = arith.shrsi %add3A_214, %shift_right_arithmetic3A_215 : i32
      %ge3A_217 = vector.broadcast %shift_right_arithmetic3A_216 : i32 to vector<8x1280xi32>
      %ge3A_218 = arith.cmpi sge, %and3A_142, %ge3A_217 : vector<8x1280xi32>
      %and3A_219 = arith.andi %and3A_152, %ge3A_218 : vector<8x1280xi1>
      %convert_element_type3A_220 = arith.extui %and3A_219 : vector<8x1280xi1> to vector<8x1280xi32>
      %reduce_sum3A_221 = vector.shape_cast %convert_element_type3A_220 : vector<8x1280xi32> to vector<1x8x1280xi32>
      %reduce_sum3A_222 = arith.constant dense<0> : vector<1xi32>
      %reduce_sum3A_223 = vector.multi_reduction <add>, %reduce_sum3A_221, %reduce_sum3A_222 [1, 2] : vector<1x8x1280xi32> to vector<1xi32>
      %reduce_sum3A_224 = vector.shape_cast %reduce_sum3A_223 : vector<1xi32> to vector<1x1x1xi32>
      %reduce_sum3A_225 = vector.extract %reduce_sum3A_224[0, 0, 0] : i32 from vector<1x1x1xi32>
      %ge3A_226 = arith.cmpi sge, %reduce_sum3A_225, %sub3A_162 : i32
      %select_n3A_227 = arith.select %ge3A_226, %shift_right_arithmetic3A_216, %scan3A_212 : i32
      %select_n3A_228 = arith.select %ge3A_226, %scan3A_213, %shift_right_arithmetic3A_216 : i32
      scf.yield %select_n3A_227, %select_n3A_228 : i32, i32
    }
    %gt3A_170 = vector.broadcast %scan3A_169#0 : i32 to vector<8x1280xi32>
    %gt3A_171 = arith.cmpi sgt, %and3A_142, %gt3A_170 : vector<8x1280xi32>
    %and3A_172 = arith.andi %and3A_152, %gt3A_171 : vector<8x1280xi1>
    %gt3A_173 = vector.broadcast %scan3A_149#0 : i32 to vector<8x1280xi32>
    %gt3A_174 = arith.cmpi sgt, %shift_right_arithmetic3A_139, %gt3A_173 : vector<8x1280xi32>
    %and3A_175 = arith.andi %and3A_136, %gt3A_174 : vector<8x1280xi1>
    %or3A_176 = arith.ori %or3A_126, %and3A_175 : vector<8x1280xi1>
    %or3A_177 = arith.ori %or3A_176, %and3A_172 : vector<8x1280xi1>
    %convert_element_type3A_178 = arith.extui %and3A_172 : vector<8x1280xi1> to vector<8x1280xi32>
    %reduce_sum3A_179 = vector.shape_cast %convert_element_type3A_178 : vector<8x1280xi32> to vector<1x8x1280xi32>
    %reduce_sum3A_180 = arith.constant dense<0> : vector<1xi32>
    %reduce_sum3A_181 = vector.multi_reduction <add>, %reduce_sum3A_179, %reduce_sum3A_180 [1, 2] : vector<1x8x1280xi32> to vector<1xi32>
    %reduce_sum3A_182 = vector.shape_cast %reduce_sum3A_181 : vector<1xi32> to vector<1x1x1xi32>
    %reduce_sum3A_183 = vector.extract %reduce_sum3A_182[0, 0, 0] : i32 from vector<1x1x1xi32>
    %sub3A_184 = arith.subi %sub3A_162, %reduce_sum3A_183 : i32
    %eq3A_185 = vector.broadcast %scan3A_169#0 : i32 to vector<8x1280xi32>
    %eq3A_186 = arith.cmpi eq, %and3A_142, %eq3A_185 : vector<8x1280xi32>
    %and3A_187 = arith.andi %and3A_152, %eq3A_186 : vector<8x1280xi1>
    %scan3A_188 = arith.constant 0 : i32
    %scan3A_189 = arith.constant 10240 : i32
    %scan3A_190 = arith.constant 0 : i32
    %scan3A_191 = arith.constant 14 : i32
    %scan3A_192 = arith.addi %scan3A_190, %scan3A_191 : i32
    %scan3A_193 = arith.constant 1 : i32
    %scan3A_194:2 = scf.for %scan3A_211 = %scan3A_190 to %scan3A_192 step %scan3A_193 iter_args(%scan3A_212 = %scan3A_188, %scan3A_213 = %scan3A_189) -> (i32, i32)  : i32 {
      %add3A_214 = arith.addi %scan3A_212, %scan3A_213 : i32
      %shift_right_arithmetic3A_215 = arith.constant 1 : i32
      %shift_right_arithmetic3A_216 = arith.shrsi %add3A_214, %shift_right_arithmetic3A_215 : i32
      %lt3A_217 = vector.broadcast %shift_right_arithmetic3A_216 : i32 to vector<8x1280xi32>
      %lt3A_218 = arith.cmpi slt, %add3A, %lt3A_217 : vector<8x1280xi32>
      %and3A_219 = arith.andi %and3A_187, %lt3A_218 : vector<8x1280xi1>
      %convert_element_type3A_220 = arith.extui %and3A_219 : vector<8x1280xi1> to vector<8x1280xi32>
      %reduce_sum3A_221 = vector.shape_cast %convert_element_type3A_220 : vector<8x1280xi32> to vector<1x8x1280xi32>
      %reduce_sum3A_222 = arith.constant dense<0> : vector<1xi32>
      %reduce_sum3A_223 = vector.multi_reduction <add>, %reduce_sum3A_221, %reduce_sum3A_222 [1, 2] : vector<1x8x1280xi32> to vector<1xi32>
      %reduce_sum3A_224 = vector.shape_cast %reduce_sum3A_223 : vector<1xi32> to vector<1x1x1xi32>
      %reduce_sum3A_225 = vector.extract %reduce_sum3A_224[0, 0, 0] : i32 from vector<1x1x1xi32>
      %ge3A_226 = arith.cmpi sge, %reduce_sum3A_225, %sub3A_184 : i32
      %select_n3A_227 = arith.select %ge3A_226, %scan3A_212, %shift_right_arithmetic3A_216 : i32
      %select_n3A_228 = arith.select %ge3A_226, %shift_right_arithmetic3A_216, %scan3A_213 : i32
      scf.yield %select_n3A_227, %select_n3A_228 : i32, i32
    }
    %lt3A = vector.broadcast %scan3A_194#1 : i32 to vector<8x1280xi32>
    %lt3A_195 = arith.cmpi slt, %add3A, %lt3A : vector<8x1280xi32>
    %and3A_196 = arith.andi %and3A_187, %lt3A_195 : vector<8x1280xi1>
    %or3A_197 = arith.ori %or3A_177, %and3A_196 : vector<8x1280xi1>
    %convert_element_type3A_198 = arith.extui %or3A_197 : vector<8x1280xi1> to vector<8x1280xi32>
    %convert_element_type3A_199 = arith.sitofp %convert_element_type3A_198 : vector<8x1280xi32> to vector<8x1280xf32>
    %swap3A = arith.constant 0 : index
    %swap3A_200 = arith.constant 0 : index
    %swap3A_201 = vector.load %arg4[%swap3A, %swap3A_200] : memref<8x1280xf32, #tpu.memory_space<vmem>>, vector<8x1280xf32>
    tpu.vector_store %arg4[%swap3A, %swap3A_200], %convert_element_type3A_199 {strides = array<i32>} : memref<8x1280xf32, #tpu.memory_space<vmem>>, vector<8x1280xf32>,
    %jit3A_202 = arith.constant 0.000000e+00 : f32
    %broadcast_in_dim3A_203 = vector.broadcast %jit3A_202 : f32 to vector<8x1280xf32>
    %select_n3A_204 = arith.select %or3A_197, %tanh3A, %broadcast_in_dim3A_203 : vector<8x1280xi1>, vector<8x1280xf32>
    %swap3A_205 = arith.constant 0 : index
    %swap3A_206 = arith.constant 0 : index
    %swap3A_207 = vector.load %arg5[%swap3A_205, %swap3A_206] : memref<8x1280xf32, #tpu.memory_space<vmem>>, vector<8x1280xf32>
    tpu.vector_store %arg5[%swap3A_205, %swap3A_206], %select_n3A_204 {strides = array<i32>} : memref<8x1280xf32, #tpu.memory_space<vmem>>, vector<8x1280xf32>,
    %swap3A_208 = arith.constant 0 : index
    %swap3A_209 = arith.constant 0 : index
    %swap3A_210 = vector.load %arg6[%swap3A_208, %swap3A_209] : memref<8x1280xf32, #tpu.memory_space<vmem>>, vector<8x1280xf32>
    tpu.vector_store %arg6[%swap3A_208, %swap3A_209], %tanh3A {strides = array<i32>} : memref<8x1280xf32, #tpu.memory_space<vmem>>, vector<8x1280xf32>,
    return
  }
}

module attributes {stable_mosaic.version = 14 : i64} {
  func.func @_head_body(%arg0: i32, %arg1: memref<2000x128xf32, #tpu.memory_space<vmem>>, %arg2: memref<2000x1xf32, #tpu.memory_space<vmem>>, %arg3: memref<128x64xf32, #tpu.memory_space<vmem>>, %arg4: memref<1x64xf32, #tpu.memory_space<vmem>>, %arg5: memref<64x16xf32, #tpu.memory_space<vmem>>, %arg6: memref<1x16xf32, #tpu.memory_space<vmem>>, %arg7: memref<1x16xf32, #tpu.memory_space<vmem>>, %arg8: memref<1x128xf32, #tpu.memory_space<vmem>>) attributes {dimension_semantics = [#tpu.dimension_semantics<arbitrary>], iteration_bounds = array<i64: 5>, scalar_prefetch = 0 : i64, scratch_operands = 1 : i64, tpu.core_type = #tpu.core_type<tc>, window_params = [{transform_indices = @transform_0, window_bounds = array<i64: 2000, 128>}, {transform_indices = @transform_1, window_bounds = array<i64: 2000, 1>}, {pipeline_mode = #tpu.pipeline_mode<synchronous>, transform_indices = @transform_2, window_bounds = array<i64: 128, 64>}, {pipeline_mode = #tpu.pipeline_mode<synchronous>, transform_indices = @transform_3, window_bounds = array<i64: 1, 64>}, {pipeline_mode = #tpu.pipeline_mode<synchronous>, transform_indices = @transform_4, window_bounds = array<i64: 64, 16>}, {pipeline_mode = #tpu.pipeline_mode<synchronous>, transform_indices = @transform_5, window_bounds = array<i64: 1, 16>}, {pipeline_mode = #tpu.pipeline_mode<synchronous>, transform_indices = @transform_6, window_bounds = array<i64: 1, 16>}]} {
    %eq3A = arith.constant 0 : i32
    %eq3A_0 = arith.cmpi eq, %arg0, %eq3A : i32
    %convert_element_type3A = arith.extui %eq3A_0 : i1 to i32
    %cond3A = arith.constant 0 : i32
    %cond3A_1 = arith.cmpi ne, %convert_element_type3A, %cond3A : i32
    scf.if %cond3A_1 {
      %broadcast_in_dim3A_19 = arith.constant 0.000000e+00 : f32
      %broadcast_in_dim3A_20 = vector.broadcast %broadcast_in_dim3A_19 : f32 to vector<1x128xf32>
      %swap3A_21 = arith.constant 0 : index
      %swap3A_22 = arith.constant 0 : index
      %swap3A_23 = vector.load %arg8[%swap3A_21, %swap3A_22] : memref<1x128xf32, #tpu.memory_space<vmem>>, vector<1x128xf32>
      tpu.vector_store %arg8[%swap3A_21, %swap3A_22], %broadcast_in_dim3A_20 {strides = array<i32>} : memref<1x128xf32, #tpu.memory_space<vmem>>, vector<1x128xf32>,
    } else {
    }
    %get3A = arith.constant 0 : index
    %get3A_2 = arith.constant 0 : index
    %get3A_3 = vector.load %arg1[%get3A, %get3A_2] : memref<2000x128xf32, #tpu.memory_space<vmem>>, vector<2000x128xf32>
    %get3A_4 = arith.constant 0 : index
    %get3A_5 = arith.constant 0 : index
    %get3A_6 = vector.load %arg2[%get3A_4, %get3A_5] : memref<2000x1xf32, #tpu.memory_space<vmem>>, vector<2000x1xf32>
    %mul3A = vector.broadcast %get3A_6 : vector<2000x1xf32> to vector<2000x128xf32>
    %mul3A_7 = arith.mulf %get3A_3, %mul3A : vector<2000x128xf32>
    %reduce_sum3A = arith.constant dense<0.000000e+00> : vector<128xf32>
    %reduce_sum3A_8 = vector.multi_reduction <add>, %mul3A_7, %reduce_sum3A [0] : vector<2000x128xf32> to vector<128xf32>
    %broadcast_in_dim3A = vector.shape_cast %reduce_sum3A_8 : vector<128xf32> to vector<1x128xf32>
    %get3A_9 = arith.constant 0 : index
    %get3A_10 = arith.constant 0 : index
    %get3A_11 = vector.load %arg8[%get3A_9, %get3A_10] : memref<1x128xf32, #tpu.memory_space<vmem>>, vector<1x128xf32>
    %add3A = arith.addf %get3A_11, %broadcast_in_dim3A : vector<1x128xf32>
    %swap3A = arith.constant 0 : index
    %swap3A_12 = arith.constant 0 : index
    %swap3A_13 = vector.load %arg8[%swap3A, %swap3A_12] : memref<1x128xf32, #tpu.memory_space<vmem>>, vector<1x128xf32>
    tpu.vector_store %arg8[%swap3A, %swap3A_12], %add3A {strides = array<i32>} : memref<1x128xf32, #tpu.memory_space<vmem>>, vector<1x128xf32>,
    %eq3A_14 = arith.constant 4 : i32
    %eq3A_15 = arith.cmpi eq, %arg0, %eq3A_14 : i32
    %convert_element_type3A_16 = arith.extui %eq3A_15 : i1 to i32
    %cond3A_17 = arith.constant 0 : i32
    %cond3A_18 = arith.cmpi ne, %convert_element_type3A_16, %cond3A_17 : i32
    scf.if %cond3A_18 {
      %get3A_19 = arith.constant 0 : index
      %get3A_20 = arith.constant 0 : index
      %get3A_21 = vector.load %arg8[%get3A_19, %get3A_20] : memref<1x128xf32, #tpu.memory_space<vmem>>, vector<1x128xf32>
      %mul3A_22 = arith.constant 1.95312503E-4 : f32
      %mul3A_23 = vector.broadcast %mul3A_22 : f32 to vector<1x128xf32>
      %mul3A_24 = arith.mulf %get3A_21, %mul3A_23 : vector<1x128xf32>
      %get3A_25 = arith.constant 0 : index
      %get3A_26 = arith.constant 0 : index
      %get3A_27 = vector.load %arg3[%get3A_25, %get3A_26] : memref<128x64xf32, #tpu.memory_space<vmem>>, vector<128x64xf32>
      %dot_general3A = arith.constant dense<0.000000e+00> : vector<1x64xf32>
      %dot_general3A_28 = tpu.matmul %mul3A_24, %get3A_27, %dot_general3A {dimension_numbers = #tpu.dot_dimension_numbers<[1], [0], [0], [1], [0, 0, 1, 1], [], []>, transpose_lhs_hint = false} : vector<1x128xf32>, vector<128x64xf32>, vector<1x64xf32> -> vector<1x64xf32>
      %get3A_29 = arith.constant 0 : index
      %get3A_30 = arith.constant 0 : index
      %get3A_31 = vector.load %arg4[%get3A_29, %get3A_30] : memref<1x64xf32, #tpu.memory_space<vmem>>, vector<1x64xf32>
      %add3A_32 = arith.addf %dot_general3A_28, %get3A_31 : vector<1x64xf32>
      %max3A = arith.constant 0.000000e+00 : f32
      %max3A_33 = vector.broadcast %max3A : f32 to vector<1x64xf32>
      %max3A_34 = arith.maximumf %add3A_32, %max3A_33 : vector<1x64xf32>
      %get3A_35 = arith.constant 0 : index
      %get3A_36 = arith.constant 0 : index
      %get3A_37 = vector.load %arg5[%get3A_35, %get3A_36] : memref<64x16xf32, #tpu.memory_space<vmem>>, vector<64x16xf32>
      %dot_general3A_38 = arith.constant dense<0.000000e+00> : vector<1x16xf32>
      %dot_general3A_39 = tpu.matmul %max3A_34, %get3A_37, %dot_general3A_38 {dimension_numbers = #tpu.dot_dimension_numbers<[1], [0], [0], [1], [0, 0, 1, 1], [], []>, transpose_lhs_hint = false} : vector<1x64xf32>, vector<64x16xf32>, vector<1x16xf32> -> vector<1x16xf32>
      %get3A_40 = arith.constant 0 : index
      %get3A_41 = arith.constant 0 : index
      %get3A_42 = vector.load %arg6[%get3A_40, %get3A_41] : memref<1x16xf32, #tpu.memory_space<vmem>>, vector<1x16xf32>
      %add3A_43 = arith.addf %dot_general3A_39, %get3A_42 : vector<1x16xf32>
      %reduce_max3A = arith.constant dense<0xFF800000> : vector<1xf32>
      %reduce_max3A_44 = vector.multi_reduction <maximumf>, %add3A_43, %reduce_max3A [1] : vector<1x16xf32> to vector<1xf32>
      %broadcast_in_dim3A_45 = vector.shape_cast %reduce_max3A_44 : vector<1xf32> to vector<1x1xf32>
      %sub3A = vector.broadcast %broadcast_in_dim3A_45 : vector<1x1xf32> to vector<1x16xf32>
      %sub3A_46 = arith.subf %add3A_43, %sub3A : vector<1x16xf32>
      %exp3A = math.exp %sub3A_46 : vector<1x16xf32>
      %reduce_sum3A_47 = arith.constant dense<0.000000e+00> : vector<1xf32>
      %reduce_sum3A_48 = vector.multi_reduction <add>, %exp3A, %reduce_sum3A_47 [1] : vector<1x16xf32> to vector<1xf32>
      %broadcast_in_dim3A_49 = vector.shape_cast %reduce_sum3A_48 : vector<1xf32> to vector<1x1xf32>
      %log3A = math.log %broadcast_in_dim3A_49 : vector<1x1xf32>
      %add3A_50 = arith.addf %log3A, %broadcast_in_dim3A_45 : vector<1x1xf32>
      %sub3A_51 = vector.broadcast %add3A_50 : vector<1x1xf32> to vector<1x16xf32>
      %sub3A_52 = arith.subf %add3A_43, %sub3A_51 : vector<1x16xf32>
      %swap3A_53 = arith.constant 0 : index
      %swap3A_54 = arith.constant 0 : index
      %swap3A_55 = vector.load %arg7[%swap3A_53, %swap3A_54] : memref<1x16xf32, #tpu.memory_space<vmem>>, vector<1x16xf32>
      tpu.vector_store %arg7[%swap3A_53, %swap3A_54], %sub3A_52 {strides = array<i32>} : memref<1x16xf32, #tpu.memory_space<vmem>>, vector<1x16xf32>,
    } else {
    }
    return
  }
  func.func @transform_0(%arg0: i32) -> (i32, i32) {
    %c0_i32 = arith.constant 0 : i32
    %c0_i32_0 = arith.constant 0 : i32
    return %arg0, %c0_i32 : i32, i32
  }
  func.func @transform_1(%arg0: i32) -> (i32, i32) {
    %c0_i32 = arith.constant 0 : i32
    %c0_i32_0 = arith.constant 0 : i32
    return %arg0, %c0_i32 : i32, i32
  }
  func.func @transform_2(%arg0: i32) -> (i32, i32) {
    %c0_i32 = arith.constant 0 : i32
    %c0_i32_0 = arith.constant 0 : i32
    %c0_i32_1 = arith.constant 0 : i32
    return %c0_i32, %c0_i32_0 : i32, i32
  }
  func.func @transform_3(%arg0: i32) -> (i32, i32) {
    %c0_i32 = arith.constant 0 : i32
    %c0_i32_0 = arith.constant 0 : i32
    %c0_i32_1 = arith.constant 0 : i32
    return %c0_i32, %c0_i32_0 : i32, i32
  }
  func.func @transform_4(%arg0: i32) -> (i32, i32) {
    %c0_i32 = arith.constant 0 : i32
    %c0_i32_0 = arith.constant 0 : i32
    %c0_i32_1 = arith.constant 0 : i32
    return %c0_i32, %c0_i32_0 : i32, i32
  }
  func.func @transform_5(%arg0: i32) -> (i32, i32) {
    %c0_i32 = arith.constant 0 : i32
    %c0_i32_0 = arith.constant 0 : i32
    %c0_i32_1 = arith.constant 0 : i32
    return %c0_i32, %c0_i32_0 : i32, i32
  }
  func.func @transform_6(%arg0: i32) -> (i32, i32) {
    %c0_i32 = arith.constant 0 : i32
    %c0_i32_0 = arith.constant 0 : i32
    %c0_i32_1 = arith.constant 0 : i32
    return %c0_i32, %c0_i32_0 : i32, i32
  }
}

</mosaic_0001>

<sc_bundles>
// kernel: kernel.14.cloned.1.call-start
scs
__scs_entry_jumppad:
0x0: {  	(pc) =	sbr.rel $0x88, $3  }
0x1: {  	(tag) =	ssettag $0x0;
	lr =	simm.s32 $0x1  }
0x2: {  	[smem:$0x3F8F] =	sst lr;
	_ =	strace $0xD0000000  }
0x3: {  	_ = 	snop  }
0x4: {  	_ = 	snop  }
0x5: {  	_ = 	snop  }
0x6: {  	_ = 	snop  }
0x7: {  	_ = 	snop  }
__scs_overlays_trampoline_lowered:
0x8: {  	[smem:$0x3F9E] =	sst s0  }
0x9: {  	[smem:$0x3F9F] =	sst s1  }
0xa: {  	[smem:$0x3FA0] =	sst s2  }
0xb: {  	[smem:$0x3FA1] =	sst s3  }
0xc: {  	[smem:$0x3FA2] =	sst s4  }
0xd: {  	[smem:$0x3FA3] =	sst s5  }
0xe: {  	[smem:$0x3FA4] =	sst s6  }
0xf: {  	[smem:$0x3FA5] =	sst s7  }
0x10: {  	[smem:$0x3FA6] =	sst s8  }
0x11: {  	[smem:$0x3FA7] =	sst s9;
	s0 =	simm.s32 @!p0 $0x0  }
0x12: {  	s1 =	sld [smem:$0x3F8D];
	s0 =	simm.s32 @p0 $0x1  }
0x13: {  	[smem:$0x3FA8] =	sst s0;
	s0 =	simm.s32 @!p1 $0x0  }
0x14: {  	s2 =	sld [smem:$0x3F8C];
	s0 =	simm.s32 @p1 $0x1  }
0x15: {  	[smem:$0x3FA9] =	sst s0;
	s0 =	simm.s32 @!p2 $0x0  }
0x16: {  	s3 =	sld [smem:$0x3FDB];
	s0 =	simm.s32 @p2 $0x1  }
0x17: {  	s4 =	simm.s32 $0x1BF5;
	[smem:$0x3FAB] =	sst s0  }
0x18: {  	s0 =	sld [smem:$0x3F8E];
	_ =	swait.ge [sflag:s4], $0x0  }
0x19: {  	s7 =	sld [smem:$0x3F8F]  }
0x1a: {  	s8 =	sadd.s32 $0xFFFFE003, lr  }
0x1b: {  	s9 =	sadd.s32 $0xFFFFFEF7, lr;
	s5 =	simm.s32 $0xFFFFFFFF;
	p2 =	slt.u32 s8, $0xFFFFF086  }
0x1c: {  	p1 =	slt.u32 s9, $0xF7A;
	s5 =	simm.s32 @!p2 $0x0  }
0x1d: {  	s5 =	simm.s32 @p1 $0x1;
	p0 =	seq.s32 s7, s2  }
0x1e: {  	s7 =	smul.u32 @!p0 $0xF7A, s2;
	p2 =	seq.s32 @!p0 s5, $0x0  }
0x1f: {  	s9 =	smul.u32 $0xF7A, s1;
	s8 =	simm.s32 @!p0 $0x1BF5;
	p2 =	por !p2, p0  }
0x20: {  	[sflag:s8] =	ssyncset.s32 @!p0 $0xFFFFF086;
	s6 =	sadd.s32 @!p0 s3, s7;
	s7 =	simm.s32 @!p0 $0x108  }
0x21: {  	s3 =	sadd.s32 s3, s9;
	s6 =	sadd.s32 @!p0 $0x88, s6;
	s7 =	simm.s32 @p2 $0x1082  }
0x22: {  	[simem:s7], [sflag:s8] =	dma.local @!p0 [hbm:s6], $0xF7A  }
0x23: {  	s9 =	sor.u32 $0xD0000000, s2;
	s6 =	simm.s32 $0x108;
	_ =	swait.ge @!p0 [sflag:s8], $0x0  }
0x24: {  	s3 =	sadd.s32 $0x88, s3;
	s6 =	simm.s32 @!p1 $0x1082;
	[sflag:s4] =	ssyncset.s32 $0xFFFFF086  }
0x25: {  	[simem:s6], [sflag:s4] =	dma.local [hbm:s3], $0xF7A  }
0x26: {  	[smem:$0x3F8F] =	sst s1;
	(tag) =	ssettag s2;
	_ =	strace s9  }
0x27: {  	s1 =	sld [smem:$0x3F9F]  }
0x28: {  	s2 =	sld [smem:$0x3FA0]  }
0x29: {  	s4 =	sld [smem:$0x3FA2]  }
0x2a: {  	p0 =	seq.s32 s5, $0x0;
	s5 =	sld [smem:$0x3FA3]  }
0x2b: {  	s6 =	sld [smem:$0x3FA4]  }
0x2c: {  	s7 =	sld [smem:$0x3FA5]  }
0x2d: {  	s3 =	simm.s32 $0x108;
	s8 =	sld [smem:$0x3FA6]  }
0x2e: {  	s3 =	simm.s32 @!p0 $0x1082;
	s9 =	sld [smem:$0x3FA7]  }
0x2f: {  	lr =	sadd.s32 s0, s3;
	s0 =	sld [smem:$0x3F9E]  }
0x30: {  	s3 =	sld [smem:$0x3FA1]  }
0x31: {  	[smem:$0x3FAA] =	sst s10  }
0x32: {  	s10 =	sld [smem:$0x3FA8];
	_ =	sdelay $0x3  }
0x33: {  	p0 =	seq.s32 s10, $0x1;
	s10 =	sld [smem:$0x3FAA];
	_ =	sdelay $0x3  }
0x34: {  	[smem:$0x3FAA] =	sst s10  }
0x35: {  	s10 =	sld [smem:$0x3FA9];
	_ =	sdelay $0x3  }
0x36: {  	p1 =	seq.s32 s10, $0x1;
	s10 =	sld [smem:$0x3FAA];
	_ =	sdelay $0x3  }
0x37: {  	[smem:$0x3FAA] =	sst s10  }
0x38: {  	s10 =	sld [smem:$0x3FAB]  }
0x39: {  	_ = 	snop;
	(pc) =	sbr.ind lr, $3  }
0x3a: {  	_ = 	snop  }
0x3b: {  	_ = 	snop  }
0x3c: {  	p2 =	seq.s32 s10, $0x1;
	s10 =	sld [smem:$0x3FAA]  }
0x3d: {  	_ =	shalt  }
0x3e: {  	_ =	shalt  }
0x3f: {  	_ =	shalt  }
0x40: {  	_ =	shalt  }
0x41: {  	_ =	shalt  }
0x42: {  	_ =	shalt  }
0x43: {  	_ =	shalt  }
0x44: {  	_ =	shalt  }
0x45: {  	_ =	shalt  }
0x46: {  	_ =	shalt  }
0x47: {  	_ =	shalt  }
0x48: {  	_ =	shalt  }
0x49: {  	_ =	shalt  }
0x4a: {  	_ =	shalt  }
0x4b: {  	_ =	shalt  }
0x4c: {  	_ =	shalt  }
0x4d: {  	_ =	shalt  }
0x4e: {  	_ =	shalt  }
0x4f: {  	_ =	shalt  }
0x50: {  	_ =	shalt  }
0x51: {  	_ =	shalt  }
0x52: {  	_ =	shalt  }
0x53: {  	_ =	shalt  }
0x54: {  	_ =	shalt  }
0x55: {  	_ =	shalt  }
0x56: {  	_ =	shalt  }
0x57: {  	_ =	shalt  }
0x58: {  	_ =	shalt  }
0x59: {  	_ =	shalt  }
0x5a: {  	_ =	shalt  }
0x5b: {  	_ =	shalt  }
0x5c: {  	_ =	shalt  }
0x5d: {  	_ =	shalt  }
0x5e: {  	_ =	shalt  }
0x5f: {  	_ =	shalt  }
0x60: {  	_ =	shalt  }
0x61: {  	_ =	shalt  }
0x62: {  	_ =	shalt  }
0x63: {  	_ =	shalt  }
0x64: {  	_ =	shalt  }
0x65: {  	_ =	shalt  }
0x66: {  	_ =	shalt  }
0x67: {  	_ =	shalt  }
0x68: {  	_ =	shalt  }
0x69: {  	_ =	shalt  }
0x6a: {  	_ =	shalt  }
0x6b: {  	_ =	shalt  }
0x6c: {  	_ =	shalt  }
0x6d: {  	_ =	shalt  }
0x6e: {  	_ =	shalt  }
0x6f: {  	_ =	shalt  }
0x70: {  	_ =	shalt  }
0x71: {  	_ =	shalt  }
0x72: {  	_ =	shalt  }
0x73: {  	_ =	shalt  }
0x74: {  	_ =	shalt  }
0x75: {  	_ =	shalt  }
0x76: {  	_ =	shalt  }
0x77: {  	_ =	shalt  }
0x78: {  	_ =	shalt  }
0x79: {  	_ =	shalt  }
0x7a: {  	_ =	shalt  }
0x7b: {  	_ =	shalt  }
0x7c: {  	_ =	shalt  }
0x7d: {  	_ =	shalt  }
0x7e: {  	_ =	shalt  }
0x7f: {  	_ =	shalt  }
0x80: {  	_ =	shalt  }
0x81: {  	_ =	shalt  }
0x82: {  	_ =	shalt  }
0x83: {  	_ =	shalt  }
0x84: {  	_ =	shalt  }
0x85: {  	_ =	shalt  }
0x86: {  	_ =	shalt  }
0x87: {  	_ =	shalt  }
.Lfunc_end0:
.L_simem_size_0:
called_computation_lowered:
.L_overlay_start_0:
0x88: {  	s2 =	sld [smem:$0x3FD9]  }
0x89: {  	s3 =	sld [smem:$0x3FFE];
	_ =	sdelay $0x1  }
0x8a: {  	s1 =	srdreg.scid  }
0x8b: {  	s0 =	sand.u32 $0x1, s1  }
0x8c: {  	s17 =	sshll.u32 s0, $0xA;
	s2 =	sadd.s32 s3, s2  }
0x8d: {  	s2 =	sadd.s32 s2, s17  }
0x8e: {  	[smem:$0x3FB6] =	sst s2  }
0x8f: {  	_ = 	snop  }
0x90: {  	s2 =	sld [smem:$0x3FC9];
	(tm) =	ssettm $0x1  }
0x91: {  	s18 =	sld [smem:$0x3FFB];
	_ =	sdelay $0x3  }
0x92: {  	_ =	strace s18  }
0x93: {  	s3 =	sld [smem:$0x3FFC];
	_ =	sdelay $0x3  }
0x94: {  	_ =	strace s3  }
0x95: {  	s3 =	sld [smem:$0x3FFD];
	_ =	sdelay $0x3  }
0x96: {  	_ =	strace s3  }
0x97: {  	_ =	strace $0x8FFFFFFF  }
0x98: {  	s19 =	sld [smem:$0x3FDB];
	_ =	sdelay $0x1  }
0x99: {  	s4 =	simm.s32 $_scs_section_size  }
0x9a: {  	s5 =	simm.s32 $_size__tile_overlayer_lowered;
	s6 =	simm.s32 $_tile_overlayer_lowered  }
0x9b: {  	s22 =	simm.s32 $0x1BFF;
	s21 =	sshll.u32 s6, $0x1;
	s3 =	sadd.s32 s4, s19  }
0x9c: {  	s7 =	simm.s32 $0x0;
	s20 =	sshll.u32 s5, $0x1;
	s5 =	sadd.s32 s21, s3  }
0x9d: {  	[timem:s7], [sflag:s22] =	dma.local [hbm:s5], s20  }
0x9e: {  	_ =	swait.ge [sflag:s22], s20  }
0x9f: {  	s4 =	ssub.s32 $0x0, s20;
	[sflag:s22] =	ssyncset.done $0x0  }
0xa0: {  	[sflag:s22] =	ssyncadd.s32 s4;
	_ =	sdelay $0x1  }
0xa1: {  	s23 =	simm.s32 $0x1B8B  }
0xa2: {  	_ =	swait.ge [sflag:s23], $0x1  }
0xa3: {  	[sflag:s23] =	ssyncset.done $0x0  }
0xa4: {  	s25 =	simm.s32 $0x1B8E;
	s24 =	sld [smem:$0x3FFE];
	[sflag:s23] =	ssyncadd.s32 $0xFFFFFFFF  }
0xa5: {  	s26 =	simm.s32 $execute0_lowered;
	[smem:$0x3FD2] =	sst s25  }
0xa6: {  	s5 =	sshll.u32 s26, $0x1;
	_ =	strace $0x80000046;
	[dreg:$0x1] =	wrdreg $0xFFFFFFFF  }
0xa7: {  	s28 =	simm.s32 $_size_execute0_lowered;
	s3 =	sadd.s32 s3, s5;
	[dreg:$0x0] =	wrdreg $0x0  }
0xa8: {  	s5 =	sshll.u32 s28, $0x1;
	[dreg:$0x2] =	wrdreg s3  }
0xa9: {  	[dreg:$0x3] =	wrdreg s5  }
0xaa: {  	[dreg:$0x4] =	wrdreg $0xC0  }
0xab: {  	_ =	task [dreg:s7], $0x5FFFF  }
0xac: {  	[dreg:$0x1] =	wrdreg $0xFFFFFFFF  }
0xad: {  	[dreg:$0x0] =	wrdreg $0x60  }
0xae: {  	[dreg:$0x2] =	wrdreg s2  }
0xaf: {  	[dreg:$0x3] =	wrdreg s24  }
0xb0: {  	[dreg:$0x4] =	wrdreg $0x29000  }
0xb1: {  	[dreg:$0x5] =	wrdreg $0x9  }
0xb2: {  	_ =	task.clear_ibuf [dreg:s7], $0x6FFFF;
	_ =	strace $0x90000046  }
0xb3: {  	s29 =	simm.s32 $0x9;
	_ =	strace $0x80000048  }
0xb4: {  	_ =	swait.ge [sflag:s29], $0x1  }
0xb5: {  	[sflag:s29] =	ssyncadd.s32 $0xFFFFFFFF  }
0xb6: {  	_ =	strace $0x90000048  }
0xb7: {  	_ =	sfence  }
0xb8: {  	s30 =	sld [smem:$0x0];
	_ =	sdelay $0x2  }
0xb9: {  	s31 =	sshll.u32 s1, $0xD;
	s1 =	sshrl.u32 s1, $0x2  }
0xba: {  	s3 =	sand.u32 $0x4000, s31;
	s1 =	sadd.s32 s1, s30  }
0xbb: {  	s0 =	sor.u32 s3, s0;
	s1 =	sshll.u32 s1, $0x11  }
0xbc: {  	s0 =	sor.u32 s1, s0  }
0xbd: {  	s0 =	sadd.s32 $0x8F2B, s0  }
0xbe: {  	[sflag:s0] =	ssyncadd.remote.s32 $0x1  }
0xbf: {  	_ =	sfence.sel $0xFFFF  }
0xc0: {  	[dreg:$0x0] =	wrdreg $0xFFFFFFFF;
	(pc) =	sbr.abs _section_cstart, $3  }
0xc1: {  	[dreg:$0x1] =	wrdreg $0xFFFFFFFF  }
0xc2: {  	_ =	task.clear_ibuf [dreg:s7], $0x2FFFF;
	_ =	strace $0x9FFFFFFF  }
0xc3: {  	(tm) =	ssettm $0x7FFFFFFF  }
tec
execute0_lowered:
.L_overlay_start_1:
0x0: {  	(tag) =	ssettag $0x1  }
0x1: {  	s1 =	rddreg [dreg:$0x0]  }
0x2: {  	s6 =	rddreg [dreg:$0x1]  }
0x3: {  	s0 =	srdreg.scid;
	s3 =	rddreg [dreg:$0x2]  }
0x4: {  	s2 =	rddreg [dreg:$0x3];
	s7 =	sand.u32 $0x1, s0  }
0x5: {  	s4 =	simm.s32 $0x0;
	s0 =	stileid.u32;
	s5 =	smul.u32 $0x27100, s7  }
0x6: {  	s13 =	simm.s32 $0x80;
	s14 =	simm.s32 $0x50;
	s8 =	smul.u32 $0x2710, s0  }
0x7: {  	s15 =	simm.s32 $0x100;
	s16 =	simm.s32 $0x1;
	s26 =	smul.u32 $0x2800, s0  }
0x8: {  	s17 =	simm.s32 $0x0;
	[smem:$0x7FF] =	sst s4;
	s9 =	smul.u32 $0x28000, s7  }
0x9: {  	_ =	strace $0x80000047;
	s11 =	smul.u32 $0x50000, s0;
	s7 =	ssub.s32 $0x2, s7  }
0xa: {  	s31 =	sshll.u32 s0, $0x6;
	s28 =	sshrl.u32 s7, $0x1;
	s5 =	sadd.s32 s8, s5  }
0xb: {  	s8 =	sadd.s32 s26, s9;
	s29 =	sshrl.u32 s11, $0x2;
	s30 =	ssub.s32 s7, s28  }
0xc: {  	s5 =	sshrl.u32 s5, $0x3;
	s8 =	sadd.s32 s8, s6;
	s12 =	sadd.s32 s29, s3  }
0xd: {  	s10 =	sadd.s32 s5, s6;
	s5 =	sadd.s32 $0x16400, s6;
	s6 =	sor.u32 $0x1C02, s31  }
0xe: {  	s7 =	sadd.s32 $0x18C00, s8;
	s8 =	smax.u32 s30, $0x1;
	s11 =	sshrl.u32 s12, $0x3  }
0xf: {  	s12 =	simm.s32 $0x2;
	s9 =	sadd.s32 $0x2800, s10;
	s10 =	sadd.s32 $0xC600, s10  }
.LBB2_1:
0x10: {  	[spmem:s11], [sflag:s6] =	dma.local [hbm:s5], $0x2800  }
0x11: {  	_ =	swait.ge [sflag:s12], $0x2800  }
0x12: {  	[sflag:s12] =	ssyncset.done $0x0  }
0x13: {  	[sflag:s12] =	ssyncadd.s32 $0xFFFFD800  }
0x14: {  	s18 =	sadd.s32 $0x0, s10;
	[bflag:$0x0] =	sbarrier.arrive $0xFFFF  }
0x15: {  	[tilespmem:s4], [sflag:$0x2] =	stream.linear.gather [hbm4b:s18+s4], $0x50, $0x38;
	[tilespmem:$0x16900] =	vst v63  }
0x16: {  	_ =	swait.ge [sflag:s12], $0x50  }
0x17: {  	[sflag:s12] =	ssyncset.done $0x0  }
0x18: {  	s31 =	sadd.s32 $0x0, s9;
	[sflag:s12] =	ssyncadd.s32 $0xFFFFFFB0  }
0x19: {  	[tilespmem:s13], [sflag:$0x2] =	stream.linear.gather [hbm4b:s31+s4], $0x50, $0x38;
	[tilespmem:$0x16900] =	vst v63  }
0x1a: {  	_ =	swait.ge [sflag:s12], $0x50  }
0x1b: {  	[sflag:s12] =	ssyncset.done $0x0  }
0x1c: {  	[sflag:s12] =	ssyncadd.s32 $0xFFFFFFB0  }
0x1d: {  	[tilespmem:s15], [sflag:$0x1] =	stream.indirect.gather [hbm4b:s1+s14], $0x80, s4, s14, $0xb8;
	[tilespmem:$0x16900] =	vst v63  }
0x1e: {  	_ =	swait.ge [sflag:s16], $0x2800  }
0x1f: {  	[sflag:s16] =	ssyncset.done $0x0  }
0x20: {  	[sflag:s16] =	ssyncadd.s32 $0xFFFFD800  }
0x21: {  	[spmem:s3] =	stream.indirect.scatter.add.f32 [tilespmem:s15], [sflag:$0x2], $0x80, s13, s14, $0xb8;
	[tilespmem:$0x16900] =	vst v63  }
0x22: {  	_ =	swait.ge [sflag:s12], $0x2800  }
0x23: {  	s19 =	simm.s32 $0x14;
	s18 =	simm.s32 $0xA;
	[sflag:s12] =	ssyncset.done $0x0  }
.LBB2_2:
0x24: {  	s20 =	sadd.s32 s18, s10  }
0x25: {  	[sflag:s12] =	ssyncadd.s32 $0xFFFFD800;
	s21 =	smov.u32 s19;
	s22 =	sadd.s32 $0xA, s19  }
0x26: {  	[tilespmem:s4], [sflag:$0x2] =	stream.linear.gather [hbm4b:s20+s4], $0x50, $0x38;
	[tilespmem:$0x16900] =	vst v63  }
0x27: {  	p0 =	sne.s32 s19, $0x4D8;
	_ =	swait.ge [sflag:s12], $0x50  }
0x28: {  	[sflag:s12] =	ssyncset.done $0x0  }
0x29: {  	s19 =	sadd.s32 s18, s9;
	s18 =	smov.u32 s21;
	[sflag:s12] =	ssyncadd.s32 $0xFFFFFFB0  }
0x2a: {  	[tilespmem:s13], [sflag:$0x2] =	stream.linear.gather [hbm4b:s19+s4], $0x50, $0x38;
	[tilespmem:$0x16900] =	vst v63  }
0x2b: {  	_ =	swait.ge [sflag:s12], $0x50  }
0x2c: {  	[sflag:s12] =	ssyncset.done $0x0  }
0x2d: {  	[sflag:s12] =	ssyncadd.s32 $0xFFFFFFB0  }
0x2e: {  	[tilespmem:s15], [sflag:$0x1] =	stream.indirect.gather [hbm4b:s1+s14], $0x80, s4, s14, $0xb8;
	[tilespmem:$0x16900] =	vst v63  }
0x2f: {  	_ =	swait.ge [sflag:s16], $0x2800  }
.Ltmp0:
0x30: {  	[sflag:s16] =	ssyncset.done $0x0;
	(pc) =	sbr.rel @p0 .LBB2_2-.Ltmp0, $4  }
0x31: {  	[sflag:s16] =	ssyncadd.s32 $0xFFFFD800  }
0x32: {  	[spmem:s3] =	stream.indirect.scatter.add.f32 [tilespmem:s15], [sflag:$0x2], $0x80, s13, s14, $0xb8;
	[tilespmem:$0x16900] =	vst v63  }
0x33: {  	_ =	swait.ge [sflag:s12], $0x2800  }
0x34: {  	s19 =	smov.u32 s22;
	[sflag:s12] =	ssyncset.done $0x0  }
0x35: {  	s19 =	sadd.s32 s18, s10;
	[sflag:s12] =	ssyncadd.s32 $0xFFFFD800  }
0x36: {  	[tilespmem:s4], [sflag:$0x2] =	stream.linear.gather [hbm4b:s19+s4], $0x50, $0x38;
	[tilespmem:$0x16900] =	vst v63  }
0x37: {  	_ =	swait.ge [sflag:s12], $0x50  }
0x38: {  	[sflag:s12] =	ssyncset.done $0x0  }
0x39: {  	s31 =	sadd.s32 s18, s9;
	[sflag:s12] =	ssyncadd.s32 $0xFFFFFFB0  }
0x3a: {  	[tilespmem:s13], [sflag:$0x2] =	stream.linear.gather [hbm4b:s31+s4], $0x50, $0x38;
	[tilespmem:$0x16900] =	vst v63  }
0x3b: {  	_ =	swait.ge [sflag:s12], $0x50  }
0x3c: {  	[sflag:s12] =	ssyncset.done $0x0  }
0x3d: {  	[sflag:s12] =	ssyncadd.s32 $0xFFFFFFB0  }
0x3e: {  	[tilespmem:s15], [sflag:$0x1] =	stream.indirect.gather [hbm4b:s1+s14], $0x80, s4, s14, $0xb8;
	[tilespmem:$0x16900] =	vst v63  }
0x3f: {  	_ =	swait.ge [sflag:s16], $0x2800  }
0x40: {  	[sflag:s16] =	ssyncset.done $0x0  }
0x41: {  	[sflag:s16] =	ssyncadd.s32 $0xFFFFD800  }
0x42: {  	[spmem:s3] =	stream.indirect.scatter.add.f32 [tilespmem:s15], [sflag:$0x2], $0x80, s13, s14, $0xb8;
	[tilespmem:$0x16900] =	vst v63  }
0x43: {  	_ =	swait.ge [sflag:s12], $0x2800  }
0x44: {  	s17 =	sadd.s32 $0x1, s17;
	[sflag:s12] =	ssyncset.done $0x0  }
0x45: {  	p0 =	sne.s32 s17, s8;
	[sflag:s12] =	ssyncadd.s32 $0xFFFFD800  }
.Ltmp1:
0x46: {  	[bflag:$0x0] =	sbarrier.arrive $0xFFFF;
	(pc) =	sbr.rel @p0 .LBB2_1-.Ltmp1, $4  }
0x47: {  	[hbm:s7], [sflag:s6] =	dma.local [spmem:s11], $0x2800  }
0x48: {  	_ =	swait.ge [sflag:s12], $0x2800  }
0x49: {  	[sflag:s12] =	ssyncset.done $0x0  }
0x4a: {  	[sflag:s12] =	ssyncadd.s32 $0xFFFFD800  }
0x4b: {  	_ =	sfence.sel $0x180000  }
0x4c: {  	[bflag:$0x0] =	sbarrier.arrive $0xFFFF  }
0x4d: {  	p0 =	sne.s32 s0, $0x0;
	_ =	strace $0x90000047  }
0x4e: {  	s0 =	sadd.s32 @!p0 $0x100000, s2;
	[bflag:$0x2] =	sbarrier.arrive $0xFFFF  }
0x4f: {  	[sflag:s0] =	ssyncadd.tile.s32 @!p0 $0x1;
	_ =	shalt  }
.Lfunc_end2:
_tile_overlayer_lowered:
.L_overlay_start_2:
0x50: {  	(tag) =	ssettag $0x2  }
0x51: {  	s0 =	rddreg [dreg:$0x0];
	s2 =	stileid.u32  }
0x52: {  	s1 =	rddreg [dreg:$0x1];
	p0 =	sne.s32 s2, $0x0  }
0x53: {  	s3 =	rddreg [dreg:$0x2];
	[bflag:$0x3] =	sbarrier.arrive $0xFFFF;
	s2 =	simm.s32 @!p0 $0x1C02  }
0x54: {  	[timem:s3], [sflag:s2] =	dma.local @!p0 [hbm:s0], s1  }
0x55: {  	s0 =	simm.s32 @!p0 $0x2  }
0x56: {  	_ =	swait.ge @!p0 [sflag:s0], s1  }
0x57: {  	s1 =	ssub.s32 @!p0 $0x0, s1;
	[sflag:s0] =	ssyncset.done @!p0 $0x0  }
0x58: {  	[sflag:s0] =	ssyncadd.s32 @!p0 s1  }
0x59: {  	[bflag:$0x3] =	sbarrier.arrive $0xFFFF  }
0x5a: {  	_ =	shalt  }

// kernel: kernel.17.cloned.1.call-start
scs
__scs_entry_jumppad:
0x0: {  	(pc) =	sbr.rel $0x88, $3  }
0x1: {  	(tag) =	ssettag $0x0;
	lr =	simm.s32 $0x1  }
0x2: {  	[smem:$0x3F8F] =	sst lr;
	_ =	strace $0xD0000000  }
0x3: {  	_ = 	snop  }
0x4: {  	_ = 	snop  }
0x5: {  	_ = 	snop  }
0x6: {  	_ = 	snop  }
0x7: {  	_ = 	snop  }
__scs_overlays_trampoline_lowered:
0x8: {  	[smem:$0x3F9E] =	sst s0  }
0x9: {  	[smem:$0x3F9F] =	sst s1  }
0xa: {  	[smem:$0x3FA0] =	sst s2  }
0xb: {  	[smem:$0x3FA1] =	sst s3  }
0xc: {  	[smem:$0x3FA2] =	sst s4  }
0xd: {  	[smem:$0x3FA3] =	sst s5  }
0xe: {  	[smem:$0x3FA4] =	sst s6  }
0xf: {  	[smem:$0x3FA5] =	sst s7  }
0x10: {  	[smem:$0x3FA6] =	sst s8  }
0x11: {  	[smem:$0x3FA7] =	sst s9;
	s0 =	simm.s32 @!p0 $0x0  }
0x12: {  	s1 =	sld [smem:$0x3F8D];
	s0 =	simm.s32 @p0 $0x1  }
0x13: {  	[smem:$0x3FA8] =	sst s0;
	s0 =	simm.s32 @!p1 $0x0  }
0x14: {  	s2 =	sld [smem:$0x3F8C];
	s0 =	simm.s32 @p1 $0x1  }
0x15: {  	[smem:$0x3FA9] =	sst s0;
	s0 =	simm.s32 @!p2 $0x0  }
0x16: {  	s3 =	sld [smem:$0x3FDB];
	s0 =	simm.s32 @p2 $0x1  }
0x17: {  	s4 =	simm.s32 $0x1BF5;
	[smem:$0x3FAB] =	sst s0  }
0x18: {  	s0 =	sld [smem:$0x3F8E];
	_ =	swait.ge [sflag:s4], $0x0  }
0x19: {  	s7 =	sld [smem:$0x3F8F]  }
0x1a: {  	s8 =	sadd.s32 $0xFFFFE003, lr  }
0x1b: {  	s9 =	sadd.s32 $0xFFFFFEF7, lr;
	s5 =	simm.s32 $0xFFFFFFFF;
	p2 =	slt.u32 s8, $0xFFFFF086  }
0x1c: {  	p1 =	slt.u32 s9, $0xF7A;
	s5 =	simm.s32 @!p2 $0x0  }
0x1d: {  	s5 =	simm.s32 @p1 $0x1;
	p0 =	seq.s32 s7, s2  }
0x1e: {  	s7 =	smul.u32 @!p0 $0xF7A, s2;
	p2 =	seq.s32 @!p0 s5, $0x0  }
0x1f: {  	s9 =	smul.u32 $0xF7A, s1;
	s8 =	simm.s32 @!p0 $0x1BF5;
	p2 =	por !p2, p0  }
0x20: {  	[sflag:s8] =	ssyncset.s32 @!p0 $0xFFFFF086;
	s6 =	sadd.s32 @!p0 s3, s7;
	s7 =	simm.s32 @!p0 $0x108  }
0x21: {  	s3 =	sadd.s32 s3, s9;
	s6 =	sadd.s32 @!p0 $0x88, s6;
	s7 =	simm.s32 @p2 $0x1082  }
0x22: {  	[simem:s7], [sflag:s8] =	dma.local @!p0 [hbm:s6], $0xF7A  }
0x23: {  	s9 =	sor.u32 $0xD0000000, s2;
	s6 =	simm.s32 $0x108;
	_ =	swait.ge @!p0 [sflag:s8], $0x0  }
0x24: {  	s3 =	sadd.s32 $0x88, s3;
	s6 =	simm.s32 @!p1 $0x1082;
	[sflag:s4] =	ssyncset.s32 $0xFFFFF086  }
0x25: {  	[simem:s6], [sflag:s4] =	dma.local [hbm:s3], $0xF7A  }
0x26: {  	[smem:$0x3F8F] =	sst s1;
	(tag) =	ssettag s2;
	_ =	strace s9  }
0x27: {  	s1 =	sld [smem:$0x3F9F]  }
0x28: {  	s2 =	sld [smem:$0x3FA0]  }
0x29: {  	s4 =	sld [smem:$0x3FA2]  }
0x2a: {  	p0 =	seq.s32 s5, $0x0;
	s5 =	sld [smem:$0x3FA3]  }
0x2b: {  	s6 =	sld [smem:$0x3FA4]  }
0x2c: {  	s7 =	sld [smem:$0x3FA5]  }
0x2d: {  	s3 =	simm.s32 $0x108;
	s8 =	sld [smem:$0x3FA6]  }
0x2e: {  	s3 =	simm.s32 @!p0 $0x1082;
	s9 =	sld [smem:$0x3FA7]  }
0x2f: {  	lr =	sadd.s32 s0, s3;
	s0 =	sld [smem:$0x3F9E]  }
0x30: {  	s3 =	sld [smem:$0x3FA1]  }
0x31: {  	[smem:$0x3FAA] =	sst s10  }
0x32: {  	s10 =	sld [smem:$0x3FA8];
	_ =	sdelay $0x3  }
0x33: {  	p0 =	seq.s32 s10, $0x1;
	s10 =	sld [smem:$0x3FAA];
	_ =	sdelay $0x3  }
0x34: {  	[smem:$0x3FAA] =	sst s10  }
0x35: {  	s10 =	sld [smem:$0x3FA9];
	_ =	sdelay $0x3  }
0x36: {  	p1 =	seq.s32 s10, $0x1;
	s10 =	sld [smem:$0x3FAA];
	_ =	sdelay $0x3  }
0x37: {  	[smem:$0x3FAA] =	sst s10  }
0x38: {  	s10 =	sld [smem:$0x3FAB]  }
0x39: {  	_ = 	snop;
	(pc) =	sbr.ind lr, $3  }
0x3a: {  	_ = 	snop  }
0x3b: {  	_ = 	snop  }
0x3c: {  	p2 =	seq.s32 s10, $0x1;
	s10 =	sld [smem:$0x3FAA]  }
0x3d: {  	_ =	shalt  }
0x3e: {  	_ =	shalt  }
0x3f: {  	_ =	shalt  }
0x40: {  	_ =	shalt  }
0x41: {  	_ =	shalt  }
0x42: {  	_ =	shalt  }
0x43: {  	_ =	shalt  }
0x44: {  	_ =	shalt  }
0x45: {  	_ =	shalt  }
0x46: {  	_ =	shalt  }
0x47: {  	_ =	shalt  }
0x48: {  	_ =	shalt  }
0x49: {  	_ =	shalt  }
0x4a: {  	_ =	shalt  }
0x4b: {  	_ =	shalt  }
0x4c: {  	_ =	shalt  }
0x4d: {  	_ =	shalt  }
0x4e: {  	_ =	shalt  }
0x4f: {  	_ =	shalt  }
0x50: {  	_ =	shalt  }
0x51: {  	_ =	shalt  }
0x52: {  	_ =	shalt  }
0x53: {  	_ =	shalt  }
0x54: {  	_ =	shalt  }
0x55: {  	_ =	shalt  }
0x56: {  	_ =	shalt  }
0x57: {  	_ =	shalt  }
0x58: {  	_ =	shalt  }
0x59: {  	_ =	shalt  }
0x5a: {  	_ =	shalt  }
0x5b: {  	_ =	shalt  }
0x5c: {  	_ =	shalt  }
0x5d: {  	_ =	shalt  }
0x5e: {  	_ =	shalt  }
0x5f: {  	_ =	shalt  }
0x60: {  	_ =	shalt  }
0x61: {  	_ =	shalt  }
0x62: {  	_ =	shalt  }
0x63: {  	_ =	shalt  }
0x64: {  	_ =	shalt  }
0x65: {  	_ =	shalt  }
0x66: {  	_ =	shalt  }
0x67: {  	_ =	shalt  }
0x68: {  	_ =	shalt  }
0x69: {  	_ =	shalt  }
0x6a: {  	_ =	shalt  }
0x6b: {  	_ =	shalt  }
0x6c: {  	_ =	shalt  }
0x6d: {  	_ =	shalt  }
0x6e: {  	_ =	shalt  }
0x6f: {  	_ =	shalt  }
0x70: {  	_ =	shalt  }
0x71: {  	_ =	shalt  }
0x72: {  	_ =	shalt  }
0x73: {  	_ =	shalt  }
0x74: {  	_ =	shalt  }
0x75: {  	_ =	shalt  }
0x76: {  	_ =	shalt  }
0x77: {  	_ =	shalt  }
0x78: {  	_ =	shalt  }
0x79: {  	_ =	shalt  }
0x7a: {  	_ =	shalt  }
0x7b: {  	_ =	shalt  }
0x7c: {  	_ =	shalt  }
0x7d: {  	_ =	shalt  }
0x7e: {  	_ =	shalt  }
0x7f: {  	_ =	shalt  }
0x80: {  	_ =	shalt  }
0x81: {  	_ =	shalt  }
0x82: {  	_ =	shalt  }
0x83: {  	_ =	shalt  }
0x84: {  	_ =	shalt  }
0x85: {  	_ =	shalt  }
0x86: {  	_ =	shalt  }
0x87: {  	_ =	shalt  }
.Lfunc_end0:
.L_simem_size_0:
called_computation.1_lowered:
.L_overlay_start_0:
0x88: {  	s2 =	sld [smem:$0x3FD9]  }
0x89: {  	s3 =	sld [smem:$0x3FFE];
	_ =	sdelay $0x1  }
0x8a: {  	s1 =	srdreg.scid  }
0x8b: {  	s0 =	sand.u32 $0x1, s1  }
0x8c: {  	s16 =	sshll.u32 s0, $0xA;
	s2 =	sadd.s32 s3, s2  }
0x8d: {  	s2 =	sadd.s32 s2, s16  }
0x8e: {  	[smem:$0x3FB6] =	sst s2  }
0x8f: {  	_ = 	snop  }
0x90: {  	(tm) =	ssettm $0x1  }
0x91: {  	s17 =	sld [smem:$0x3FFB];
	_ =	sdelay $0x3  }
0x92: {  	_ =	strace s17  }
0x93: {  	s2 =	sld [smem:$0x3FFC];
	_ =	sdelay $0x3  }
0x94: {  	_ =	strace s2  }
0x95: {  	s2 =	sld [smem:$0x3FFD];
	_ =	sdelay $0x3  }
0x96: {  	_ =	strace s2  }
0x97: {  	_ =	strace $0x8FFFFFFF  }
0x98: {  	s18 =	sld [smem:$0x3FDB];
	_ =	sdelay $0x1  }
0x99: {  	s19 =	simm.s32 $_scs_section_size  }
0x9a: {  	s4 =	simm.s32 $_size__tile_overlayer_lowered;
	s5 =	simm.s32 $_tile_overlayer_lowered  }
0x9b: {  	s22 =	simm.s32 $0x1BFF;
	s21 =	sshll.u32 s5, $0x1;
	s2 =	sadd.s32 s19, s18  }
0x9c: {  	s6 =	simm.s32 $0x0;
	s20 =	sshll.u32 s4, $0x1;
	s4 =	sadd.s32 s21, s2  }
0x9d: {  	[timem:s6], [sflag:s22] =	dma.local [hbm:s4], s20  }
0x9e: {  	_ =	swait.ge [sflag:s22], s20  }
0x9f: {  	s3 =	ssub.s32 $0x0, s20;
	[sflag:s22] =	ssyncset.done $0x0  }
0xa0: {  	[sflag:s22] =	ssyncadd.s32 s3;
	_ =	sdelay $0x1  }
0xa1: {  	s23 =	simm.s32 $0x1B8B  }
0xa2: {  	_ =	swait.ge [sflag:s23], $0x1  }
0xa3: {  	[sflag:s23] =	ssyncset.done $0x0  }
0xa4: {  	s25 =	simm.s32 $0x1B8E;
	s24 =	sld [smem:$0x3FFE];
	[sflag:s23] =	ssyncadd.s32 $0xFFFFFFFF  }
0xa5: {  	s26 =	simm.s32 $execute0_lowered;
	[smem:$0x3FD2] =	sst s25  }
0xa6: {  	s4 =	sshll.u32 s26, $0x1;
	_ =	strace $0x80000049;
	[dreg:$0x1] =	wrdreg $0xFFFFFFFF  }
0xa7: {  	s28 =	simm.s32 $_size_execute0_lowered;
	s2 =	sadd.s32 s2, s4;
	[dreg:$0x0] =	wrdreg $0x0  }
0xa8: {  	s4 =	sshll.u32 s28, $0x1;
	[dreg:$0x2] =	wrdreg s2  }
0xa9: {  	[dreg:$0x3] =	wrdreg s4  }
0xaa: {  	[dreg:$0x4] =	wrdreg $0xC0  }
0xab: {  	_ =	task [dreg:s6], $0x5FFFF  }
0xac: {  	[dreg:$0x1] =	wrdreg $0xFFFFFFFF  }
0xad: {  	[dreg:$0x0] =	wrdreg $0x60  }
0xae: {  	[dreg:$0x2] =	wrdreg s24  }
0xaf: {  	[dreg:$0x3] =	wrdreg $0x29000  }
0xb0: {  	[dreg:$0x4] =	wrdreg $0x9  }
0xb1: {  	_ =	task.clear_ibuf [dreg:s6], $0x5FFFF;
	_ =	strace $0x90000049  }
0xb2: {  	s29 =	simm.s32 $0x9;
	_ =	strace $0x8000004B  }
0xb3: {  	_ =	swait.ge [sflag:s29], $0x1  }
0xb4: {  	[sflag:s29] =	ssyncadd.s32 $0xFFFFFFFF  }
0xb5: {  	_ =	strace $0x9000004B  }
0xb6: {  	_ =	sfence  }
0xb7: {  	s30 =	sld [smem:$0x0];
	_ =	sdelay $0x2  }
0xb8: {  	s31 =	sshll.u32 s1, $0xD;
	s1 =	sshrl.u32 s1, $0x2  }
0xb9: {  	s3 =	sand.u32 $0x4000, s31;
	s1 =	sadd.s32 s1, s30  }
0xba: {  	s0 =	sor.u32 s3, s0;
	s1 =	sshll.u32 s1, $0x11  }
0xbb: {  	s0 =	sor.u32 s1, s0  }
0xbc: {  	s0 =	sadd.s32 $0x8F2B, s0  }
0xbd: {  	[sflag:s0] =	ssyncadd.remote.s32 $0x1  }
0xbe: {  	_ =	sfence.sel $0xFFFF  }
0xbf: {  	[dreg:$0x0] =	wrdreg $0xFFFFFFFF;
	(pc) =	sbr.abs _section_cstart, $3  }
0xc0: {  	[dreg:$0x1] =	wrdreg $0xFFFFFFFF  }
0xc1: {  	_ =	task.clear_ibuf [dreg:s6], $0x2FFFF;
	_ =	strace $0x9FFFFFFF  }
0xc2: {  	(tm) =	ssettm $0x7FFFFFFF  }
0xc3: {  	_ =	shalt  }
tec
execute0_lowered:
.L_overlay_start_1:
0x0: {  	(tag) =	ssettag $0x1  }
0x1: {  	s6 =	rddreg [dreg:$0x0]  }
0x2: {  	s0 =	srdreg.scid;
	s2 =	rddreg [dreg:$0x1]  }
0x3: {  	s1 =	rddreg [dreg:$0x2];
	s3 =	simm.s32 $0x0;
	s7 =	sand.u32 $0x1, s0  }
0x4: {  	s13 =	simm.s32 $0x80;
	s0 =	stileid.u32;
	s4 =	smul.u32 $0x27100, s7  }
0x5: {  	s14 =	simm.s32 $0x50;
	s15 =	simm.s32 $0x100;
	s5 =	smul.u32 $0x2710, s0  }
0x6: {  	s16 =	simm.s32 $0x1;
	[smem:$0x7FF] =	sst s3;
	s8 =	smul.u32 $0x2800, s0  }
0x7: {  	s17 =	simm.s32 $0x0;
	_ =	strace $0x8000004A;
	s9 =	smul.u32 $0x28000, s7  }
0x8: {  	s11 =	smul.u32 $0x50000, s0;
	s7 =	ssub.s32 $0x2, s7;
	s31 =	sshll.u32 s0, $0x6  }
0x9: {  	s28 =	sshrl.u32 s7, $0x1;
	s4 =	sadd.s32 s5, s4;
	s8 =	sadd.s32 s8, s9  }
0xa: {  	s29 =	sshrl.u32 s11, $0x2;
	s30 =	ssub.s32 s7, s28;
	s5 =	sshrl.u32 s4, $0x3  }
0xb: {  	s4 =	sadd.s32 $0x18C00, s6;
	s8 =	sadd.s32 s8, s6;
	s12 =	sadd.s32 s29, s2  }
0xc: {  	s10 =	sadd.s32 s5, s6;
	s5 =	sadd.s32 $0x16400, s6;
	s6 =	sor.u32 $0x1C02, s31  }
0xd: {  	s7 =	sadd.s32 $0x3FE00, s8;
	s8 =	smax.u32 s30, $0x1;
	s11 =	sshrl.u32 s12, $0x3  }
0xe: {  	s12 =	simm.s32 $0x2;
	s9 =	sadd.s32 $0x2800, s10;
	s10 =	sadd.s32 $0xC600, s10  }
.LBB2_1:
0xf: {  	[spmem:s11], [sflag:s6] =	dma.local [hbm:s5], $0x2800  }
0x10: {  	_ =	swait.ge [sflag:s12], $0x2800  }
0x11: {  	[sflag:s12] =	ssyncset.done $0x0  }
0x12: {  	[sflag:s12] =	ssyncadd.s32 $0xFFFFD800  }
0x13: {  	s18 =	sadd.s32 $0x0, s10;
	[bflag:$0x0] =	sbarrier.arrive $0xFFFF  }
0x14: {  	[tilespmem:s3], [sflag:$0x2] =	stream.linear.gather [hbm4b:s18+s3], $0x50, $0x38;
	[tilespmem:$0x16900] =	vst v63  }
0x15: {  	_ =	swait.ge [sflag:s12], $0x50  }
0x16: {  	[sflag:s12] =	ssyncset.done $0x0  }
0x17: {  	s31 =	sadd.s32 $0x0, s9;
	[sflag:s12] =	ssyncadd.s32 $0xFFFFFFB0  }
0x18: {  	[tilespmem:s13], [sflag:$0x2] =	stream.linear.gather [hbm4b:s31+s3], $0x50, $0x38;
	[tilespmem:$0x16900] =	vst v63  }
0x19: {  	_ =	swait.ge [sflag:s12], $0x50  }
0x1a: {  	[sflag:s12] =	ssyncset.done $0x0  }
0x1b: {  	[sflag:s12] =	ssyncadd.s32 $0xFFFFFFB0  }
0x1c: {  	[tilespmem:s15], [sflag:$0x1] =	stream.indirect.gather [hbm4b:s4+s14], $0x80, s3, s14, $0xb8;
	[tilespmem:$0x16900] =	vst v63  }
0x1d: {  	_ =	swait.ge [sflag:s16], $0x2800  }
0x1e: {  	[sflag:s16] =	ssyncset.done $0x0  }
0x1f: {  	[sflag:s16] =	ssyncadd.s32 $0xFFFFD800  }
0x20: {  	[spmem:s2] =	stream.indirect.scatter.add.f32 [tilespmem:s15], [sflag:$0x2], $0x80, s13, s14, $0xb8;
	[tilespmem:$0x16900] =	vst v63  }
0x21: {  	_ =	swait.ge [sflag:s12], $0x2800  }
0x22: {  	s19 =	simm.s32 $0x14;
	s18 =	simm.s32 $0xA;
	[sflag:s12] =	ssyncset.done $0x0  }
.LBB2_2:
0x23: {  	s20 =	sadd.s32 s18, s10  }
0x24: {  	[sflag:s12] =	ssyncadd.s32 $0xFFFFD800;
	s21 =	smov.u32 s19;
	s22 =	sadd.s32 $0xA, s19  }
0x25: {  	[tilespmem:s3], [sflag:$0x2] =	stream.linear.gather [hbm4b:s20+s3], $0x50, $0x38;
	[tilespmem:$0x16900] =	vst v63  }
0x26: {  	p0 =	sne.s32 s19, $0x4D8;
	_ =	swait.ge [sflag:s12], $0x50  }
0x27: {  	[sflag:s12] =	ssyncset.done $0x0  }
0x28: {  	s19 =	sadd.s32 s18, s9;
	s18 =	smov.u32 s21;
	[sflag:s12] =	ssyncadd.s32 $0xFFFFFFB0  }
0x29: {  	[tilespmem:s13], [sflag:$0x2] =	stream.linear.gather [hbm4b:s19+s3], $0x50, $0x38;
	[tilespmem:$0x16900] =	vst v63  }
0x2a: {  	_ =	swait.ge [sflag:s12], $0x50  }
0x2b: {  	[sflag:s12] =	ssyncset.done $0x0  }
0x2c: {  	[sflag:s12] =	ssyncadd.s32 $0xFFFFFFB0  }
0x2d: {  	[tilespmem:s15], [sflag:$0x1] =	stream.indirect.gather [hbm4b:s4+s14], $0x80, s3, s14, $0xb8;
	[tilespmem:$0x16900] =	vst v63  }
0x2e: {  	_ =	swait.ge [sflag:s16], $0x2800  }
.Ltmp0:
0x2f: {  	[sflag:s16] =	ssyncset.done $0x0;
	(pc) =	sbr.rel @p0 .LBB2_2-.Ltmp0, $4  }
0x30: {  	[sflag:s16] =	ssyncadd.s32 $0xFFFFD800  }
0x31: {  	[spmem:s2] =	stream.indirect.scatter.add.f32 [tilespmem:s15], [sflag:$0x2], $0x80, s13, s14, $0xb8;
	[tilespmem:$0x16900] =	vst v63  }
0x32: {  	_ =	swait.ge [sflag:s12], $0x2800  }
0x33: {  	s19 =	smov.u32 s22;
	[sflag:s12] =	ssyncset.done $0x0  }
0x34: {  	s19 =	sadd.s32 s18, s10;
	[sflag:s12] =	ssyncadd.s32 $0xFFFFD800  }
0x35: {  	[tilespmem:s3], [sflag:$0x2] =	stream.linear.gather [hbm4b:s19+s3], $0x50, $0x38;
	[tilespmem:$0x16900] =	vst v63  }
0x36: {  	_ =	swait.ge [sflag:s12], $0x50  }
0x37: {  	[sflag:s12] =	ssyncset.done $0x0  }
0x38: {  	s31 =	sadd.s32 s18, s9;
	[sflag:s12] =	ssyncadd.s32 $0xFFFFFFB0  }
0x39: {  	[tilespmem:s13], [sflag:$0x2] =	stream.linear.gather [hbm4b:s31+s3], $0x50, $0x38;
	[tilespmem:$0x16900] =	vst v63  }
0x3a: {  	_ =	swait.ge [sflag:s12], $0x50  }
0x3b: {  	[sflag:s12] =	ssyncset.done $0x0  }
0x3c: {  	[sflag:s12] =	ssyncadd.s32 $0xFFFFFFB0  }
0x3d: {  	[tilespmem:s15], [sflag:$0x1] =	stream.indirect.gather [hbm4b:s4+s14], $0x80, s3, s14, $0xb8;
	[tilespmem:$0x16900] =	vst v63  }
0x3e: {  	_ =	swait.ge [sflag:s16], $0x2800  }
0x3f: {  	[sflag:s16] =	ssyncset.done $0x0  }
0x40: {  	[sflag:s16] =	ssyncadd.s32 $0xFFFFD800  }
0x41: {  	[spmem:s2] =	stream.indirect.scatter.add.f32 [tilespmem:s15], [sflag:$0x2], $0x80, s13, s14, $0xb8;
	[tilespmem:$0x16900] =	vst v63  }
0x42: {  	_ =	swait.ge [sflag:s12], $0x2800  }
0x43: {  	s17 =	sadd.s32 $0x1, s17;
	[sflag:s12] =	ssyncset.done $0x0  }
0x44: {  	p0 =	sne.s32 s17, s8;
	[sflag:s12] =	ssyncadd.s32 $0xFFFFD800  }
.Ltmp1:
0x45: {  	[bflag:$0x0] =	sbarrier.arrive $0xFFFF;
	(pc) =	sbr.rel @p0 .LBB2_1-.Ltmp1, $4  }
0x46: {  	[hbm:s7], [sflag:s6] =	dma.local [spmem:s11], $0x2800  }
0x47: {  	_ =	swait.ge [sflag:s12], $0x2800  }
0x48: {  	[sflag:s12] =	ssyncset.done $0x0  }
0x49: {  	[sflag:s12] =	ssyncadd.s32 $0xFFFFD800  }
0x4a: {  	_ =	sfence.sel $0x180000  }
0x4b: {  	[bflag:$0x0] =	sbarrier.arrive $0xFFFF  }
0x4c: {  	p0 =	sne.s32 s0, $0x0;
	_ =	strace $0x9000004A  }
0x4d: {  	s0 =	sadd.s32 @!p0 $0x100000, s1;
	[bflag:$0x2] =	sbarrier.arrive $0xFFFF  }
0x4e: {  	[sflag:s0] =	ssyncadd.tile.s32 @!p0 $0x1;
	_ =	shalt  }
.Lfunc_end2:
_tile_overlayer_lowered:
.L_overlay_start_2:
0x4f: {  	(tag) =	ssettag $0x2  }
0x50: {  	s0 =	rddreg [dreg:$0x0];
	s2 =	stileid.u32  }
0x51: {  	s1 =	rddreg [dreg:$0x1];
	p0 =	sne.s32 s2, $0x0  }
0x52: {  	s3 =	rddreg [dreg:$0x2];
	[bflag:$0x3] =	sbarrier.arrive $0xFFFF;
	s2 =	simm.s32 @!p0 $0x1C02  }
0x53: {  	[timem:s3], [sflag:s2] =	dma.local @!p0 [hbm:s0], s1  }
0x54: {  	s0 =	simm.s32 @!p0 $0x2  }
0x55: {  	_ =	swait.ge @!p0 [sflag:s0], s1  }
0x56: {  	s1 =	ssub.s32 @!p0 $0x0, s1;
	[sflag:s0] =	ssyncset.done @!p0 $0x0  }
0x57: {  	[sflag:s0] =	ssyncadd.s32 @!p0 s1  }
0x58: {  	[bflag:$0x3] =	sbarrier.arrive $0xFFFF  }
0x59: {  	_ =	shalt  }

// kernel: kernel.20.cloned.1.call-start
scs
__scs_entry_jumppad:
0x0: {  	(pc) =	sbr.rel $0x88, $3  }
0x1: {  	(tag) =	ssettag $0x0;
	lr =	simm.s32 $0x1  }
0x2: {  	[smem:$0x3F8F] =	sst lr;
	_ =	strace $0xD0000000  }
0x3: {  	_ = 	snop  }
0x4: {  	_ = 	snop  }
0x5: {  	_ = 	snop  }
0x6: {  	_ = 	snop  }
0x7: {  	_ = 	snop  }
__scs_overlays_trampoline_lowered:
0x8: {  	[smem:$0x3F9E] =	sst s0  }
0x9: {  	[smem:$0x3F9F] =	sst s1  }
0xa: {  	[smem:$0x3FA0] =	sst s2  }
0xb: {  	[smem:$0x3FA1] =	sst s3  }
0xc: {  	[smem:$0x3FA2] =	sst s4  }
0xd: {  	[smem:$0x3FA3] =	sst s5  }
0xe: {  	[smem:$0x3FA4] =	sst s6  }
0xf: {  	[smem:$0x3FA5] =	sst s7  }
0x10: {  	[smem:$0x3FA6] =	sst s8  }
0x11: {  	[smem:$0x3FA7] =	sst s9;
	s0 =	simm.s32 @!p0 $0x0  }
0x12: {  	s1 =	sld [smem:$0x3F8D];
	s0 =	simm.s32 @p0 $0x1  }
0x13: {  	[smem:$0x3FA8] =	sst s0;
	s0 =	simm.s32 @!p1 $0x0  }
0x14: {  	s2 =	sld [smem:$0x3F8C];
	s0 =	simm.s32 @p1 $0x1  }
0x15: {  	[smem:$0x3FA9] =	sst s0;
	s0 =	simm.s32 @!p2 $0x0  }
0x16: {  	s3 =	sld [smem:$0x3FDB];
	s0 =	simm.s32 @p2 $0x1  }
0x17: {  	s4 =	simm.s32 $0x1BF5;
	[smem:$0x3FAB] =	sst s0  }
0x18: {  	s0 =	sld [smem:$0x3F8E];
	_ =	swait.ge [sflag:s4], $0x0  }
0x19: {  	s7 =	sld [smem:$0x3F8F]  }
0x1a: {  	s8 =	sadd.s32 $0xFFFFE003, lr  }
0x1b: {  	s9 =	sadd.s32 $0xFFFFFEF7, lr;
	s5 =	simm.s32 $0xFFFFFFFF;
	p2 =	slt.u32 s8, $0xFFFFF086  }
0x1c: {  	p1 =	slt.u32 s9, $0xF7A;
	s5 =	simm.s32 @!p2 $0x0  }
0x1d: {  	s5 =	simm.s32 @p1 $0x1;
	p0 =	seq.s32 s7, s2  }
0x1e: {  	s7 =	smul.u32 @!p0 $0xF7A, s2;
	p2 =	seq.s32 @!p0 s5, $0x0  }
0x1f: {  	s9 =	smul.u32 $0xF7A, s1;
	s8 =	simm.s32 @!p0 $0x1BF5;
	p2 =	por !p2, p0  }
0x20: {  	[sflag:s8] =	ssyncset.s32 @!p0 $0xFFFFF086;
	s6 =	sadd.s32 @!p0 s3, s7;
	s7 =	simm.s32 @!p0 $0x108  }
0x21: {  	s3 =	sadd.s32 s3, s9;
	s6 =	sadd.s32 @!p0 $0x88, s6;
	s7 =	simm.s32 @p2 $0x1082  }
0x22: {  	[simem:s7], [sflag:s8] =	dma.local @!p0 [hbm:s6], $0xF7A  }
0x23: {  	s9 =	sor.u32 $0xD0000000, s2;
	s6 =	simm.s32 $0x108;
	_ =	swait.ge @!p0 [sflag:s8], $0x0  }
0x24: {  	s3 =	sadd.s32 $0x88, s3;
	s6 =	simm.s32 @!p1 $0x1082;
	[sflag:s4] =	ssyncset.s32 $0xFFFFF086  }
0x25: {  	[simem:s6], [sflag:s4] =	dma.local [hbm:s3], $0xF7A  }
0x26: {  	[smem:$0x3F8F] =	sst s1;
	(tag) =	ssettag s2;
	_ =	strace s9  }
0x27: {  	s1 =	sld [smem:$0x3F9F]  }
0x28: {  	s2 =	sld [smem:$0x3FA0]  }
0x29: {  	s4 =	sld [smem:$0x3FA2]  }
0x2a: {  	p0 =	seq.s32 s5, $0x0;
	s5 =	sld [smem:$0x3FA3]  }
0x2b: {  	s6 =	sld [smem:$0x3FA4]  }
0x2c: {  	s7 =	sld [smem:$0x3FA5]  }
0x2d: {  	s3 =	simm.s32 $0x108;
	s8 =	sld [smem:$0x3FA6]  }
0x2e: {  	s3 =	simm.s32 @!p0 $0x1082;
	s9 =	sld [smem:$0x3FA7]  }
0x2f: {  	lr =	sadd.s32 s0, s3;
	s0 =	sld [smem:$0x3F9E]  }
0x30: {  	s3 =	sld [smem:$0x3FA1]  }
0x31: {  	[smem:$0x3FAA] =	sst s10  }
0x32: {  	s10 =	sld [smem:$0x3FA8];
	_ =	sdelay $0x3  }
0x33: {  	p0 =	seq.s32 s10, $0x1;
	s10 =	sld [smem:$0x3FAA];
	_ =	sdelay $0x3  }
0x34: {  	[smem:$0x3FAA] =	sst s10  }
0x35: {  	s10 =	sld [smem:$0x3FA9];
	_ =	sdelay $0x3  }
0x36: {  	p1 =	seq.s32 s10, $0x1;
	s10 =	sld [smem:$0x3FAA];
	_ =	sdelay $0x3  }
0x37: {  	[smem:$0x3FAA] =	sst s10  }
0x38: {  	s10 =	sld [smem:$0x3FAB]  }
0x39: {  	_ = 	snop;
	(pc) =	sbr.ind lr, $3  }
0x3a: {  	_ = 	snop  }
0x3b: {  	_ = 	snop  }
0x3c: {  	p2 =	seq.s32 s10, $0x1;
	s10 =	sld [smem:$0x3FAA]  }
0x3d: {  	_ =	shalt  }
0x3e: {  	_ =	shalt  }
0x3f: {  	_ =	shalt  }
0x40: {  	_ =	shalt  }
0x41: {  	_ =	shalt  }
0x42: {  	_ =	shalt  }
0x43: {  	_ =	shalt  }
0x44: {  	_ =	shalt  }
0x45: {  	_ =	shalt  }
0x46: {  	_ =	shalt  }
0x47: {  	_ =	shalt  }
0x48: {  	_ =	shalt  }
0x49: {  	_ =	shalt  }
0x4a: {  	_ =	shalt  }
0x4b: {  	_ =	shalt  }
0x4c: {  	_ =	shalt  }
0x4d: {  	_ =	shalt  }
0x4e: {  	_ =	shalt  }
0x4f: {  	_ =	shalt  }
0x50: {  	_ =	shalt  }
0x51: {  	_ =	shalt  }
0x52: {  	_ =	shalt  }
0x53: {  	_ =	shalt  }
0x54: {  	_ =	shalt  }
0x55: {  	_ =	shalt  }
0x56: {  	_ =	shalt  }
0x57: {  	_ =	shalt  }
0x58: {  	_ =	shalt  }
0x59: {  	_ =	shalt  }
0x5a: {  	_ =	shalt  }
0x5b: {  	_ =	shalt  }
0x5c: {  	_ =	shalt  }
0x5d: {  	_ =	shalt  }
0x5e: {  	_ =	shalt  }
0x5f: {  	_ =	shalt  }
0x60: {  	_ =	shalt  }
0x61: {  	_ =	shalt  }
0x62: {  	_ =	shalt  }
0x63: {  	_ =	shalt  }
0x64: {  	_ =	shalt  }
0x65: {  	_ =	shalt  }
0x66: {  	_ =	shalt  }
0x67: {  	_ =	shalt  }
0x68: {  	_ =	shalt  }
0x69: {  	_ =	shalt  }
0x6a: {  	_ =	shalt  }
0x6b: {  	_ =	shalt  }
0x6c: {  	_ =	shalt  }
0x6d: {  	_ =	shalt  }
0x6e: {  	_ =	shalt  }
0x6f: {  	_ =	shalt  }
0x70: {  	_ =	shalt  }
0x71: {  	_ =	shalt  }
0x72: {  	_ =	shalt  }
0x73: {  	_ =	shalt  }
0x74: {  	_ =	shalt  }
0x75: {  	_ =	shalt  }
0x76: {  	_ =	shalt  }
0x77: {  	_ =	shalt  }
0x78: {  	_ =	shalt  }
0x79: {  	_ =	shalt  }
0x7a: {  	_ =	shalt  }
0x7b: {  	_ =	shalt  }
0x7c: {  	_ =	shalt  }
0x7d: {  	_ =	shalt  }
0x7e: {  	_ =	shalt  }
0x7f: {  	_ =	shalt  }
0x80: {  	_ =	shalt  }
0x81: {  	_ =	shalt  }
0x82: {  	_ =	shalt  }
0x83: {  	_ =	shalt  }
0x84: {  	_ =	shalt  }
0x85: {  	_ =	shalt  }
0x86: {  	_ =	shalt  }
0x87: {  	_ =	shalt  }
.Lfunc_end0:
.L_simem_size_0:
called_computation.2_lowered:
.L_overlay_start_0:
0x88: {  	s2 =	sld [smem:$0x3FD9]  }
0x89: {  	s3 =	sld [smem:$0x3FFE];
	_ =	sdelay $0x1  }
0x8a: {  	s1 =	srdreg.scid  }
0x8b: {  	s0 =	sand.u32 $0x1, s1  }
0x8c: {  	s16 =	sshll.u32 s0, $0xA;
	s2 =	sadd.s32 s3, s2  }
0x8d: {  	s2 =	sadd.s32 s2, s16  }
0x8e: {  	[smem:$0x3FB6] =	sst s2  }
0x8f: {  	_ = 	snop  }
0x90: {  	(tm) =	ssettm $0x1  }
0x91: {  	s17 =	sld [smem:$0x3FFB];
	_ =	sdelay $0x3  }
0x92: {  	_ =	strace s17  }
0x93: {  	s2 =	sld [smem:$0x3FFC];
	_ =	sdelay $0x3  }
0x94: {  	_ =	strace s2  }
0x95: {  	s2 =	sld [smem:$0x3FFD];
	_ =	sdelay $0x3  }
0x96: {  	_ =	strace s2  }
0x97: {  	_ =	strace $0x8FFFFFFF  }
0x98: {  	s18 =	sld [smem:$0x3FDB];
	_ =	sdelay $0x1  }
0x99: {  	s19 =	simm.s32 $_scs_section_size  }
0x9a: {  	s4 =	simm.s32 $_size__tile_overlayer_lowered;
	s5 =	simm.s32 $_tile_overlayer_lowered  }
0x9b: {  	s22 =	simm.s32 $0x1BFF;
	s21 =	sshll.u32 s5, $0x1;
	s2 =	sadd.s32 s19, s18  }
0x9c: {  	s6 =	simm.s32 $0x0;
	s20 =	sshll.u32 s4, $0x1;
	s4 =	sadd.s32 s21, s2  }
0x9d: {  	[timem:s6], [sflag:s22] =	dma.local [hbm:s4], s20  }
0x9e: {  	_ =	swait.ge [sflag:s22], s20  }
0x9f: {  	s3 =	ssub.s32 $0x0, s20;
	[sflag:s22] =	ssyncset.done $0x0  }
0xa0: {  	[sflag:s22] =	ssyncadd.s32 s3;
	_ =	sdelay $0x1  }
0xa1: {  	s23 =	simm.s32 $0x1B8B  }
0xa2: {  	_ =	swait.ge [sflag:s23], $0x1  }
0xa3: {  	[sflag:s23] =	ssyncset.done $0x0  }
0xa4: {  	s25 =	simm.s32 $0x1B8E;
	s24 =	sld [smem:$0x3FFE];
	[sflag:s23] =	ssyncadd.s32 $0xFFFFFFFF  }
0xa5: {  	s26 =	simm.s32 $execute0_lowered;
	[smem:$0x3FD2] =	sst s25  }
0xa6: {  	s4 =	sshll.u32 s26, $0x1;
	_ =	strace $0x8000004C;
	[dreg:$0x1] =	wrdreg $0xFFFFFFFF  }
0xa7: {  	s28 =	simm.s32 $_size_execute0_lowered;
	s2 =	sadd.s32 s2, s4;
	[dreg:$0x0] =	wrdreg $0x0  }
0xa8: {  	s4 =	sshll.u32 s28, $0x1;
	[dreg:$0x2] =	wrdreg s2  }
0xa9: {  	[dreg:$0x3] =	wrdreg s4  }
0xaa: {  	[dreg:$0x4] =	wrdreg $0xC0  }
0xab: {  	_ =	task [dreg:s6], $0x5FFFF  }
0xac: {  	[dreg:$0x1] =	wrdreg $0xFFFFFFFF  }
0xad: {  	[dreg:$0x0] =	wrdreg $0x60  }
0xae: {  	[dreg:$0x2] =	wrdreg s24  }
0xaf: {  	[dreg:$0x3] =	wrdreg $0x29000  }
0xb0: {  	[dreg:$0x4] =	wrdreg $0x9  }
0xb1: {  	_ =	task.clear_ibuf [dreg:s6], $0x5FFFF;
	_ =	strace $0x9000004C  }
0xb2: {  	s29 =	simm.s32 $0x9;
	_ =	strace $0x8000004E  }
0xb3: {  	_ =	swait.ge [sflag:s29], $0x1  }
0xb4: {  	[sflag:s29] =	ssyncadd.s32 $0xFFFFFFFF  }
0xb5: {  	_ =	strace $0x9000004E  }
0xb6: {  	_ =	sfence  }
0xb7: {  	s30 =	sld [smem:$0x0];
	_ =	sdelay $0x2  }
0xb8: {  	s31 =	sshll.u32 s1, $0xD;
	s1 =	sshrl.u32 s1, $0x2  }
0xb9: {  	s3 =	sand.u32 $0x4000, s31;
	s1 =	sadd.s32 s1, s30  }
0xba: {  	s0 =	sor.u32 s3, s0;
	s1 =	sshll.u32 s1, $0x11  }
0xbb: {  	s0 =	sor.u32 s1, s0  }
0xbc: {  	s0 =	sadd.s32 $0x8F2B, s0  }
0xbd: {  	[sflag:s0] =	ssyncadd.remote.s32 $0x1  }
0xbe: {  	_ =	sfence.sel $0xFFFF  }
0xbf: {  	[dreg:$0x0] =	wrdreg $0xFFFFFFFF;
	(pc) =	sbr.abs _section_cstart, $3  }
0xc0: {  	[dreg:$0x1] =	wrdreg $0xFFFFFFFF  }
0xc1: {  	_ =	task.clear_ibuf [dreg:s6], $0x2FFFF;
	_ =	strace $0x9FFFFFFF  }
0xc2: {  	(tm) =	ssettm $0x7FFFFFFF  }
0xc3: {  	_ =	shalt  }
tec
execute0_lowered:
.L_overlay_start_1:
0x0: {  	(tag) =	ssettag $0x1  }
0x1: {  	s6 =	rddreg [dreg:$0x0]  }
0x2: {  	s0 =	srdreg.scid;
	s2 =	rddreg [dreg:$0x1]  }
0x3: {  	s1 =	rddreg [dreg:$0x2];
	s3 =	simm.s32 $0x0;
	s7 =	sand.u32 $0x1, s0  }
0x4: {  	s13 =	simm.s32 $0x80;
	s0 =	stileid.u32;
	s4 =	smul.u32 $0x27100, s7  }
0x5: {  	s14 =	simm.s32 $0x50;
	s15 =	simm.s32 $0x100;
	s5 =	smul.u32 $0x2710, s0  }
0x6: {  	s16 =	simm.s32 $0x1;
	[smem:$0x7FF] =	sst s3;
	s8 =	smul.u32 $0x2800, s0  }
0x7: {  	s17 =	simm.s32 $0x0;
	_ =	strace $0x8000004D;
	s9 =	smul.u32 $0x28000, s7  }
0x8: {  	s11 =	smul.u32 $0x50000, s0;
	s7 =	ssub.s32 $0x2, s7;
	s31 =	sshll.u32 s0, $0x6  }
0x9: {  	s28 =	sshrl.u32 s7, $0x1;
	s4 =	sadd.s32 s5, s4;
	s8 =	sadd.s32 s8, s9  }
0xa: {  	s29 =	sshrl.u32 s11, $0x2;
	s30 =	ssub.s32 s7, s28;
	s5 =	sshrl.u32 s4, $0x3  }
0xb: {  	s4 =	sadd.s32 $0x18C00, s6;
	s8 =	sadd.s32 s8, s6;
	s12 =	sadd.s32 s29, s2  }
0xc: {  	s10 =	sadd.s32 s5, s6;
	s5 =	sadd.s32 $0x16400, s6;
	s6 =	sor.u32 $0x1C02, s31  }
0xd: {  	s7 =	sadd.s32 $0x3FE00, s8;
	s8 =	smax.u32 s30, $0x1;
	s11 =	sshrl.u32 s12, $0x3  }
0xe: {  	s12 =	simm.s32 $0x2;
	s9 =	sadd.s32 $0x2800, s10;
	s10 =	sadd.s32 $0xC600, s10  }
.LBB2_1:
0xf: {  	[spmem:s11], [sflag:s6] =	dma.local [hbm:s5], $0x2800  }
0x10: {  	_ =	swait.ge [sflag:s12], $0x2800  }
0x11: {  	[sflag:s12] =	ssyncset.done $0x0  }
0x12: {  	[sflag:s12] =	ssyncadd.s32 $0xFFFFD800  }
0x13: {  	s18 =	sadd.s32 $0x0, s10;
	[bflag:$0x0] =	sbarrier.arrive $0xFFFF  }
0x14: {  	[tilespmem:s3], [sflag:$0x2] =	stream.linear.gather [hbm4b:s18+s3], $0x50, $0x38;
	[tilespmem:$0x16900] =	vst v63  }
0x15: {  	_ =	swait.ge [sflag:s12], $0x50  }
0x16: {  	[sflag:s12] =	ssyncset.done $0x0  }
0x17: {  	s31 =	sadd.s32 $0x0, s9;
	[sflag:s12] =	ssyncadd.s32 $0xFFFFFFB0  }
0x18: {  	[tilespmem:s13], [sflag:$0x2] =	stream.linear.gather [hbm4b:s31+s3], $0x50, $0x38;
	[tilespmem:$0x16900] =	vst v63  }
0x19: {  	_ =	swait.ge [sflag:s12], $0x50  }
0x1a: {  	[sflag:s12] =	ssyncset.done $0x0  }
0x1b: {  	[sflag:s12] =	ssyncadd.s32 $0xFFFFFFB0  }
0x1c: {  	[tilespmem:s15], [sflag:$0x1] =	stream.indirect.gather [hbm4b:s4+s14], $0x80, s3, s14, $0xb8;
	[tilespmem:$0x16900] =	vst v63  }
0x1d: {  	_ =	swait.ge [sflag:s16], $0x2800  }
0x1e: {  	[sflag:s16] =	ssyncset.done $0x0  }
0x1f: {  	[sflag:s16] =	ssyncadd.s32 $0xFFFFD800  }
0x20: {  	[spmem:s2] =	stream.indirect.scatter.add.f32 [tilespmem:s15], [sflag:$0x2], $0x80, s13, s14, $0xb8;
	[tilespmem:$0x16900] =	vst v63  }
0x21: {  	_ =	swait.ge [sflag:s12], $0x2800  }
0x22: {  	s19 =	simm.s32 $0x14;
	s18 =	simm.s32 $0xA;
	[sflag:s12] =	ssyncset.done $0x0  }
.LBB2_2:
0x23: {  	s20 =	sadd.s32 s18, s10  }
0x24: {  	[sflag:s12] =	ssyncadd.s32 $0xFFFFD800;
	s21 =	smov.u32 s19;
	s22 =	sadd.s32 $0xA, s19  }
0x25: {  	[tilespmem:s3], [sflag:$0x2] =	stream.linear.gather [hbm4b:s20+s3], $0x50, $0x38;
	[tilespmem:$0x16900] =	vst v63  }
0x26: {  	p0 =	sne.s32 s19, $0x4D8;
	_ =	swait.ge [sflag:s12], $0x50  }
0x27: {  	[sflag:s12] =	ssyncset.done $0x0  }
0x28: {  	s19 =	sadd.s32 s18, s9;
	s18 =	smov.u32 s21;
	[sflag:s12] =	ssyncadd.s32 $0xFFFFFFB0  }
0x29: {  	[tilespmem:s13], [sflag:$0x2] =	stream.linear.gather [hbm4b:s19+s3], $0x50, $0x38;
	[tilespmem:$0x16900] =	vst v63  }
0x2a: {  	_ =	swait.ge [sflag:s12], $0x50  }
0x2b: {  	[sflag:s12] =	ssyncset.done $0x0  }
0x2c: {  	[sflag:s12] =	ssyncadd.s32 $0xFFFFFFB0  }
0x2d: {  	[tilespmem:s15], [sflag:$0x1] =	stream.indirect.gather [hbm4b:s4+s14], $0x80, s3, s14, $0xb8;
	[tilespmem:$0x16900] =	vst v63  }
0x2e: {  	_ =	swait.ge [sflag:s16], $0x2800  }
.Ltmp0:
0x2f: {  	[sflag:s16] =	ssyncset.done $0x0;
	(pc) =	sbr.rel @p0 .LBB2_2-.Ltmp0, $4  }
0x30: {  	[sflag:s16] =	ssyncadd.s32 $0xFFFFD800  }
0x31: {  	[spmem:s2] =	stream.indirect.scatter.add.f32 [tilespmem:s15], [sflag:$0x2], $0x80, s13, s14, $0xb8;
	[tilespmem:$0x16900] =	vst v63  }
0x32: {  	_ =	swait.ge [sflag:s12], $0x2800  }
0x33: {  	s19 =	smov.u32 s22;
	[sflag:s12] =	ssyncset.done $0x0  }
0x34: {  	s19 =	sadd.s32 s18, s10;
	[sflag:s12] =	ssyncadd.s32 $0xFFFFD800  }
0x35: {  	[tilespmem:s3], [sflag:$0x2] =	stream.linear.gather [hbm4b:s19+s3], $0x50, $0x38;
	[tilespmem:$0x16900] =	vst v63  }
0x36: {  	_ =	swait.ge [sflag:s12], $0x50  }
0x37: {  	[sflag:s12] =	ssyncset.done $0x0  }
0x38: {  	s31 =	sadd.s32 s18, s9;
	[sflag:s12] =	ssyncadd.s32 $0xFFFFFFB0  }
0x39: {  	[tilespmem:s13], [sflag:$0x2] =	stream.linear.gather [hbm4b:s31+s3], $0x50, $0x38;
	[tilespmem:$0x16900] =	vst v63  }
0x3a: {  	_ =	swait.ge [sflag:s12], $0x50  }
0x3b: {  	[sflag:s12] =	ssyncset.done $0x0  }
0x3c: {  	[sflag:s12] =	ssyncadd.s32 $0xFFFFFFB0  }
0x3d: {  	[tilespmem:s15], [sflag:$0x1] =	stream.indirect.gather [hbm4b:s4+s14], $0x80, s3, s14, $0xb8;
	[tilespmem:$0x16900] =	vst v63  }
0x3e: {  	_ =	swait.ge [sflag:s16], $0x2800  }
0x3f: {  	[sflag:s16] =	ssyncset.done $0x0  }
0x40: {  	[sflag:s16] =	ssyncadd.s32 $0xFFFFD800  }
0x41: {  	[spmem:s2] =	stream.indirect.scatter.add.f32 [tilespmem:s15], [sflag:$0x2], $0x80, s13, s14, $0xb8;
	[tilespmem:$0x16900] =	vst v63  }
0x42: {  	_ =	swait.ge [sflag:s12], $0x2800  }
0x43: {  	s17 =	sadd.s32 $0x1, s17;
	[sflag:s12] =	ssyncset.done $0x0  }
0x44: {  	p0 =	sne.s32 s17, s8;
	[sflag:s12] =	ssyncadd.s32 $0xFFFFD800  }
.Ltmp1:
0x45: {  	[bflag:$0x0] =	sbarrier.arrive $0xFFFF;
	(pc) =	sbr.rel @p0 .LBB2_1-.Ltmp1, $4  }
0x46: {  	[hbm:s7], [sflag:s6] =	dma.local [spmem:s11], $0x2800  }
0x47: {  	_ =	swait.ge [sflag:s12], $0x2800  }
0x48: {  	[sflag:s12] =	ssyncset.done $0x0  }
0x49: {  	[sflag:s12] =	ssyncadd.s32 $0xFFFFD800  }
0x4a: {  	_ =	sfence.sel $0x180000  }
0x4b: {  	[bflag:$0x0] =	sbarrier.arrive $0xFFFF  }
0x4c: {  	p0 =	sne.s32 s0, $0x0;
	_ =	strace $0x9000004D  }
0x4d: {  	s0 =	sadd.s32 @!p0 $0x100000, s1;
	[bflag:$0x2] =	sbarrier.arrive $0xFFFF  }
0x4e: {  	[sflag:s0] =	ssyncadd.tile.s32 @!p0 $0x1;
	_ =	shalt  }
.Lfunc_end2:
_tile_overlayer_lowered:
.L_overlay_start_2:
0x4f: {  	(tag) =	ssettag $0x2  }
0x50: {  	s0 =	rddreg [dreg:$0x0];
	s2 =	stileid.u32  }
0x51: {  	s1 =	rddreg [dreg:$0x1];
	p0 =	sne.s32 s2, $0x0  }
0x52: {  	s3 =	rddreg [dreg:$0x2];
	[bflag:$0x3] =	sbarrier.arrive $0xFFFF;
	s2 =	simm.s32 @!p0 $0x1C02  }
0x53: {  	[timem:s3], [sflag:s2] =	dma.local @!p0 [hbm:s0], s1  }
0x54: {  	s0 =	simm.s32 @!p0 $0x2  }
0x55: {  	_ =	swait.ge @!p0 [sflag:s0], s1  }
0x56: {  	s1 =	ssub.s32 @!p0 $0x0, s1;
	[sflag:s0] =	ssyncset.done @!p0 $0x0  }
0x57: {  	[sflag:s0] =	ssyncadd.s32 @!p0 s1  }
0x58: {  	[bflag:$0x3] =	sbarrier.arrive $0xFFFF  }
0x59: {  	_ =	shalt  }

</sc_bundles>
